<compile_context>
chip_gen: v7x
topology: tpu7x:2x2x1
jax: 0.10.2.dev20260603
libtpu: 0.0.44.dev20260713+nightly
codegen_flags: <defaults>
</compile_context>

<pallas_src>
import jax
import jax.numpy as jnp
from jax import lax
from jax.experimental import pallas as pl
from jax.experimental.pallas import tpu as pltpu
from jax.experimental.pallas import tpu_sc as plsc

B, L, D = 4096, 50, 128
NC, NS = 2, 16
NW = NC * NS
BPW = B // NW
NBUF = 5

SELU_ALPHA = 1.6732632423543772
SELU_SCALE = 1.0507009873554805


def _sc_cbow_body(idx_hbm, table_hbm, out_hbm, idx_v, acc_v,
                  b0, b1, b2, b3, b4, s0, s1, s2, s3, s4):
    bufs = (b0, b1, b2, b3, b4)
    sems = (s0, s1, s2, s3, s4)
    wid = lax.axis_index("s") * NC + lax.axis_index("c")
    base = wid * BPW
    pltpu.sync_copy(idx_hbm.at[wid], idx_v)

    def start(c, buf, sem):
        pltpu.async_copy(table_hbm.at[idx_v.at[c]], buf, sem)

    def wait(buf, sem):
        pltpu.make_async_copy(table_hbm.at[pl.ds(0, BPW), :], buf, sem).wait()

    for c in range(NBUF - 1):
        start(c, bufs[c], sems[c])

    def zero_rows(r, _):
        z = jnp.zeros((16,), jnp.float32)
        for d in range(D // 16):
            acc_v[r, pl.ds(d * 16, 16)] = z
        return 0

    lax.fori_loop(0, BPW, zero_rows, 0)

    def accum(buf):
        def body(r2, _):
            r = 2 * r2
            for rr in range(2):
                for d in range(D // 16):
                    sl = pl.ds(d * 16, 16)
                    plsc.addupdate(acc_v.at[r + rr, sl], buf[r + rr, sl])
            return 0
        lax.fori_loop(0, BPW // 2, body, 0)

    def step(i, _):
        for b in range(NBUF):
            c = i * NBUF + b
            nb = (b + NBUF - 1) % NBUF

            @pl.when(c + NBUF - 1 < L)
            def _(c=c, nb=nb):
                start(c + NBUF - 1, bufs[nb], sems[nb])

            wait(bufs[b], sems[b])
            accum(bufs[b])
        return 0

    lax.fori_loop(0, L // NBUF, step, 0)
    for b in range(L % NBUF):
        wait(bufs[b], sems[b])
        accum(bufs[b])
    pltpu.sync_copy(acc_v, out_hbm.at[pl.ds(base, BPW), :])


def _sc_cbow(idx_r, table):
    mesh = plsc.VectorSubcoreMesh(core_axis_name="c", subcore_axis_name="s")
    return pl.kernel(
        _sc_cbow_body,
        out_type=jax.ShapeDtypeStruct((B, D), jnp.float32),
        mesh=mesh,
        scratch_types=(
            [pltpu.VMEM((L, BPW), jnp.int32),
             pltpu.VMEM((BPW, D), jnp.float32)]
            + [pltpu.VMEM((BPW, D), jnp.float32)] * NBUF
            + [pltpu.SemaphoreType.DMA] * NBUF
        ),
    )(idx_r, table)


def _tc_proj_body(y_ref, w_ref, b_ref, o_ref):
    y = y_ref[...]
    s = jnp.where(y > 0, y, SELU_ALPHA * (jnp.exp(y) - 1.0)) * SELU_SCALE
    o_ref[...] = (
        lax.dot_general(s, w_ref[...], (((1,), (1,)), ((), ())),
                        preferred_element_type=jnp.float32)
        + b_ref[...]
    )


def _tc_proj(y, W, b2d):
    nblk = 2
    blk = B // nblk
    return pl.pallas_call(
        _tc_proj_body,
        grid=(nblk,),
        in_specs=[
            pl.BlockSpec((blk, D), lambda i: (i, 0)),
            pl.BlockSpec((D, D), lambda i: (0, 0)),
            pl.BlockSpec((1, D), lambda i: (0, 0)),
        ],
        out_specs=pl.BlockSpec((blk, D), lambda i: (i, 0)),
        out_shape=jax.ShapeDtypeStruct((B, D), jnp.float32),
    )(y, W, b2d)


def kernel(input_text, table, W, b):
    idx = input_text.reshape(B, L).astype(jnp.int32)
    idx_r = idx.reshape(NW, BPW, L).transpose(0, 2, 1)
    y = _sc_cbow(idx_r, table)
    return _tc_proj(y, W, b.reshape(1, D))

# --- scband reference (transcript-rebuilt; emitter-appended) ---
"""Pipeline reference for scband-rnncbow-75548474737303 (READ-ONLY COPY).

The authoritative reference and input builder live on the scoring server;
editing this copy changes nothing except your own understanding.
"""

import jax, jax.numpy as jnp
import numpy as np

VOCAB, D, B, L = 100000, 128, 4096, 50

def setup_inputs(seed: int = 0) -> dict:
    key = jax.random.key(seed)
    k1, k2, k3, k4 = jax.random.split(key, 4)
    input_text = jax.random.randint(k1, (B, L), 0, VOCAB)
    table = jax.random.normal(k2, (VOCAB, D), dtype=jnp.float32) * 0.05
    table = table.at[0].set(0.0)  # padding_idx=0
    W = jax.random.normal(k3, (D, D), dtype=jnp.float32) * 0.05
    b = jax.random.normal(k4, (D,), dtype=jnp.float32) * 0.05
    return {"input_text": input_text, "table": table, "W": W, "b": b}

def reference(input_text, table, W, b):
    # input_text.view(B, -1)
    idx = input_text.reshape(input_text.shape[0], -1)
    # embedding with padding_idx=0 -> row 0 forced to zero
    t = table.at[0].set(0.0)
    x = jnp.take(t, idx, axis=0)          # [B, L, D] gather
    x = jnp.sum(x, axis=1)                 # CBOW sum over sequence
    x = jax.nn.selu(x)
    # torch Linear: x @ W.T + b
    return x @ W.T + b

if __name__ == "__main__":
    import jax
    _d = setup_inputs()
    print(jax.jit(kernel)(*tuple(_d.values())))

</pallas_src>

<mosaic_0001>
#map = affine_map<(d0, d1) -> (0, 0, 0)>
#map1 = affine_map<(d0, d1) -> (0, 0)>
module attributes {stable_mosaic.version = 14 : i64} {
  func.func @_sc_cbow_body(%arg0: i32, %arg1: i32, %arg2: memref<32x50x128xi32, #tpu.memory_space<hbm>>, %arg3: memref<100000x128xf32, #tpu.memory_space<hbm>>, %arg4: memref<4096x128xf32, #tpu.memory_space<hbm>>, %arg5: memref<50x128xi32, #tpu.memory_space<vmem>>, %arg6: memref<128x128xf32, #tpu.memory_space<vmem>>, %arg7: memref<128x128xf32, #tpu.memory_space<vmem>>, %arg8: memref<128x128xf32, #tpu.memory_space<vmem>>, %arg9: memref<128x128xf32, #tpu.memory_space<vmem>>, %arg10: memref<128x128xf32, #tpu.memory_space<vmem>>, %arg11: memref<128x128xf32, #tpu.memory_space<vmem>>, %arg12: memref<!tpu.dma_semaphore, #tpu.memory_space<semaphore_mem>>, %arg13: memref<!tpu.dma_semaphore, #tpu.memory_space<semaphore_mem>>, %arg14: memref<!tpu.dma_semaphore, #tpu.memory_space<semaphore_mem>>, %arg15: memref<!tpu.dma_semaphore, #tpu.memory_space<semaphore_mem>>, %arg16: memref<!tpu.dma_semaphore, #tpu.memory_space<semaphore_mem>>) attributes {dimension_semantics = [#tpu.dimension_semantics<core_parallel>, #tpu.dimension_semantics<subcore_parallel>], iteration_bounds = array<i64: 2, 16>, scalar_prefetch = 0 : i64, scratch_operands = 12 : i64, tpu.core_type = #tpu.core_type<sc_vector_subcore>, window_params = [{transform_indices = #map}, {transform_indices = #map1}, {transform_indices = #map1}]} {
    %mul3A = arith.constant 2 : i32
    %mul3A_0 = arith.muli %arg1, %mul3A : i32
    %add3A = arith.addi %mul3A_0, %arg0 : i32
    %mul3A_1 = arith.constant 128 : i32
    %mul3A_2 = arith.muli %add3A, %mul3A_1 : i32
    "tpu.region"() ({
      %run_scoped3A = tpu.sem_alloc : memref<!tpu.dma_semaphore, #tpu.memory_space<semaphore_mem>>
      %dma_start3A_43 = arith.constant 0 : i32
      %dma_start3A_44 = arith.constant 0 : i32
      %dma_start3A_45 = tpu.memref_slice %arg2[%add3A, %dma_start3A_43, %dma_start3A_44] : memref<32x50x128xi32, #tpu.memory_space<hbm>> -> memref<1x50x128xi32, #tpu.memory_space<hbm>>
      %dma_start3A_46 = tpu.memref_squeeze %dma_start3A_45 : memref<1x50x128xi32, #tpu.memory_space<hbm>> -> memref<50x128xi32, #tpu.memory_space<hbm>>
      %dma_start3A_47 = arith.constant 0 : i32
      %dma_start3A_48 = arith.constant 0 : i32
      %dma_start3A_49 = tpu.memref_slice %arg2[%add3A, %dma_start3A_47, %dma_start3A_48] : memref<32x50x128xi32, #tpu.memory_space<hbm>> -> memref<1x50x128xi32, #tpu.memory_space<hbm>>
      %dma_start3A_50 = tpu.memref_squeeze %dma_start3A_49 : memref<1x50x128xi32, #tpu.memory_space<hbm>> -> memref<50x128xi32, #tpu.memory_space<hbm>>
      tpu.enqueue_dma source(%dma_start3A_50 : memref<50x128xi32, #tpu.memory_space<hbm>>) target(%arg5 : memref<50x128xi32, #tpu.memory_space<vmem>>) target_semaphore(%run_scoped3A : memref<!tpu.dma_semaphore, #tpu.memory_space<semaphore_mem>>)
      %dma_wait3A = arith.constant 0 : i32
      %dma_wait3A_51 = arith.constant 0 : i32
      %dma_wait3A_52 = tpu.memref_slice %arg2[%add3A, %dma_wait3A, %dma_wait3A_51] : memref<32x50x128xi32, #tpu.memory_space<hbm>> -> memref<1x50x128xi32, #tpu.memory_space<hbm>>
      %dma_wait3A_53 = tpu.memref_squeeze %dma_wait3A_52 : memref<1x50x128xi32, #tpu.memory_space<hbm>> -> memref<50x128xi32, #tpu.memory_space<hbm>>
      %dma_wait3A_54 = arith.constant 0 : i32
      %dma_wait3A_55 = arith.constant 0 : i32
      %dma_wait3A_56 = tpu.memref_slice %arg2[%add3A, %dma_wait3A_54, %dma_wait3A_55] : memref<32x50x128xi32, #tpu.memory_space<hbm>> -> memref<1x50x128xi32, #tpu.memory_space<hbm>>
      %dma_wait3A_57 = tpu.memref_squeeze %dma_wait3A_56 : memref<1x50x128xi32, #tpu.memory_space<hbm>> -> memref<50x128xi32, #tpu.memory_space<hbm>>
      tpu.wait_dma2 semaphore(%run_scoped3A : memref<!tpu.dma_semaphore, #tpu.memory_space<semaphore_mem>>) src(%dma_wait3A_57 : memref<50x128xi32, #tpu.memory_space<hbm>>) dst(%arg5 : memref<50x128xi32, #tpu.memory_space<vmem>>)
      tpu.yield
    }) : () -> ()
    %dma_start3A = arith.constant 0 : i32
    %dma_start3A_3 = arith.constant 0 : i32
    %dma_start3A_4 = tpu.memref_slice %arg5[%dma_start3A, %dma_start3A_3] : memref<50x128xi32, #tpu.memory_space<vmem>> -> memref<1x128xi32, #tpu.memory_space<vmem>>
    %dma_start3A_5 = tpu.memref_squeeze %dma_start3A_4 : memref<1x128xi32, #tpu.memory_space<vmem>> -> memref<128xi32, #tpu.memory_space<vmem>>
    %dma_start3A_6 = arith.constant 0 : i32
    %dma_start3A_7 = arith.constant 0 : i32
    %dma_start3A_8 = tpu.memref_slice %arg3[%dma_start3A_6, %dma_start3A_7] : memref<100000x128xf32, #tpu.memory_space<hbm>> -> memref<100000x128xf32, #tpu.memory_space<hbm>>
    tpu.enqueue_indirect_dma source(%dma_start3A_8 : memref<100000x128xf32, #tpu.memory_space<hbm>>) target(%arg7 : memref<128x128xf32, #tpu.memory_space<vmem>>) offsets(%dma_start3A_5 : memref<128xi32, #tpu.memory_space<vmem>>) semaphore(%arg12 : memref<!tpu.dma_semaphore, #tpu.memory_space<semaphore_mem>>)
    %dma_start3A_9 = arith.constant 1 : i32
    %dma_start3A_10 = arith.constant 0 : i32
    %dma_start3A_11 = tpu.memref_slice %arg5[%dma_start3A_9, %dma_start3A_10] : memref<50x128xi32, #tpu.memory_space<vmem>> -> memref<1x128xi32, #tpu.memory_space<vmem>>
    %dma_start3A_12 = tpu.memref_squeeze %dma_start3A_11 : memref<1x128xi32, #tpu.memory_space<vmem>> -> memref<128xi32, #tpu.memory_space<vmem>>
    %dma_start3A_13 = arith.constant 0 : i32
    %dma_start3A_14 = arith.constant 0 : i32
    %dma_start3A_15 = tpu.memref_slice %arg3[%dma_start3A_13, %dma_start3A_14] : memref<100000x128xf32, #tpu.memory_space<hbm>> -> memref<100000x128xf32, #tpu.memory_space<hbm>>
    tpu.enqueue_indirect_dma source(%dma_start3A_15 : memref<100000x128xf32, #tpu.memory_space<hbm>>) target(%arg8 : memref<128x128xf32, #tpu.memory_space<vmem>>) offsets(%dma_start3A_12 : memref<128xi32, #tpu.memory_space<vmem>>) semaphore(%arg13 : memref<!tpu.dma_semaphore, #tpu.memory_space<semaphore_mem>>)
    %dma_start3A_16 = arith.constant 2 : i32
    %dma_start3A_17 = arith.constant 0 : i32
    %dma_start3A_18 = tpu.memref_slice %arg5[%dma_start3A_16, %dma_start3A_17] : memref<50x128xi32, #tpu.memory_space<vmem>> -> memref<1x128xi32, #tpu.memory_space<vmem>>
    %dma_start3A_19 = tpu.memref_squeeze %dma_start3A_18 : memref<1x128xi32, #tpu.memory_space<vmem>> -> memref<128xi32, #tpu.memory_space<vmem>>
    %dma_start3A_20 = arith.constant 0 : i32
    %dma_start3A_21 = arith.constant 0 : i32
    %dma_start3A_22 = tpu.memref_slice %arg3[%dma_start3A_20, %dma_start3A_21] : memref<100000x128xf32, #tpu.memory_space<hbm>> -> memref<100000x128xf32, #tpu.memory_space<hbm>>
    tpu.enqueue_indirect_dma source(%dma_start3A_22 : memref<100000x128xf32, #tpu.memory_space<hbm>>) target(%arg9 : memref<128x128xf32, #tpu.memory_space<vmem>>) offsets(%dma_start3A_19 : memref<128xi32, #tpu.memory_space<vmem>>) semaphore(%arg14 : memref<!tpu.dma_semaphore, #tpu.memory_space<semaphore_mem>>)
    %dma_start3A_23 = arith.constant 3 : i32
    %dma_start3A_24 = arith.constant 0 : i32
    %dma_start3A_25 = tpu.memref_slice %arg5[%dma_start3A_23, %dma_start3A_24] : memref<50x128xi32, #tpu.memory_space<vmem>> -> memref<1x128xi32, #tpu.memory_space<vmem>>
    %dma_start3A_26 = tpu.memref_squeeze %dma_start3A_25 : memref<1x128xi32, #tpu.memory_space<vmem>> -> memref<128xi32, #tpu.memory_space<vmem>>
    %dma_start3A_27 = arith.constant 0 : i32
    %dma_start3A_28 = arith.constant 0 : i32
    %dma_start3A_29 = tpu.memref_slice %arg3[%dma_start3A_27, %dma_start3A_28] : memref<100000x128xf32, #tpu.memory_space<hbm>> -> memref<100000x128xf32, #tpu.memory_space<hbm>>
    tpu.enqueue_indirect_dma source(%dma_start3A_29 : memref<100000x128xf32, #tpu.memory_space<hbm>>) target(%arg10 : memref<128x128xf32, #tpu.memory_space<vmem>>) offsets(%dma_start3A_26 : memref<128xi32, #tpu.memory_space<vmem>>) semaphore(%arg15 : memref<!tpu.dma_semaphore, #tpu.memory_space<semaphore_mem>>)
    %scan3A = arith.constant 0 : i32
    %scan3A_30 = arith.constant 0 : i32
    %scan3A_31 = arith.constant 128 : i32
    %scan3A_32 = arith.addi %scan3A_30, %scan3A_31 : i32
    %scan3A_33 = arith.constant 1 : i32
    %scan3A_34 = scf.for %scan3A_43 = %scan3A_30 to %scan3A_32 step %scan3A_33 iter_args(%scan3A_44 = %scan3A) -> (i32)  : i32 {
      %broadcast_in_dim3A = arith.constant 0.000000e+00 : f32
      %broadcast_in_dim3A_45 = vector.broadcast %broadcast_in_dim3A : f32 to vector<16xf32>
      %swap3A = arith.index_cast %scan3A_43 : i32 to index
      %swap3A_46 = arith.constant 0 : index
      %swap3A_47 = tpu.vector_load %arg6[%swap3A, %swap3A_46] {strides = array<i32>} : memref<128x128xf32, #tpu.memory_space<vmem>>, vector<1x16xf32>,
      %swap3A_48 = vector.shape_cast %swap3A_47 : vector<1x16xf32> to vector<16xf32>
      %swap3A_49 = vector.shape_cast %broadcast_in_dim3A_45 : vector<16xf32> to vector<1x16xf32>
      tpu.vector_store %arg6[%swap3A, %swap3A_46], %swap3A_49 {strides = array<i32>} : memref<128x128xf32, #tpu.memory_space<vmem>>, vector<1x16xf32>,
      %swap3A_50 = arith.index_cast %scan3A_43 : i32 to index
      %swap3A_51 = arith.constant 16 : index
      %swap3A_52 = tpu.vector_load %arg6[%swap3A_50, %swap3A_51] {strides = array<i32>} : memref<128x128xf32, #tpu.memory_space<vmem>>, vector<1x16xf32>,
      %swap3A_53 = vector.shape_cast %swap3A_52 : vector<1x16xf32> to vector<16xf32>
      %swap3A_54 = vector.shape_cast %broadcast_in_dim3A_45 : vector<16xf32> to vector<1x16xf32>
      tpu.vector_store %arg6[%swap3A_50, %swap3A_51], %swap3A_54 {strides = array<i32>} : memref<128x128xf32, #tpu.memory_space<vmem>>, vector<1x16xf32>,
      %swap3A_55 = arith.index_cast %scan3A_43 : i32 to index
      %swap3A_56 = arith.constant 32 : index
      %swap3A_57 = tpu.vector_load %arg6[%swap3A_55, %swap3A_56] {strides = array<i32>} : memref<128x128xf32, #tpu.memory_space<vmem>>, vector<1x16xf32>,
      %swap3A_58 = vector.shape_cast %swap3A_57 : vector<1x16xf32> to vector<16xf32>
      %swap3A_59 = vector.shape_cast %broadcast_in_dim3A_45 : vector<16xf32> to vector<1x16xf32>
      tpu.vector_store %arg6[%swap3A_55, %swap3A_56], %swap3A_59 {strides = array<i32>} : memref<128x128xf32, #tpu.memory_space<vmem>>, vector<1x16xf32>,
      %swap3A_60 = arith.index_cast %scan3A_43 : i32 to index
      %swap3A_61 = arith.constant 48 : index
      %swap3A_62 = tpu.vector_load %arg6[%swap3A_60, %swap3A_61] {strides = array<i32>} : memref<128x128xf32, #tpu.memory_space<vmem>>, vector<1x16xf32>,
      %swap3A_63 = vector.shape_cast %swap3A_62 : vector<1x16xf32> to vector<16xf32>
      %swap3A_64 = vector.shape_cast %broadcast_in_dim3A_45 : vector<16xf32> to vector<1x16xf32>
      tpu.vector_store %arg6[%swap3A_60, %swap3A_61], %swap3A_64 {strides = array<i32>} : memref<128x128xf32, #tpu.memory_space<vmem>>, vector<1x16xf32>,
      %swap3A_65 = arith.index_cast %scan3A_43 : i32 to index
      %swap3A_66 = arith.constant 64 : index
      %swap3A_67 = tpu.vector_load %arg6[%swap3A_65, %swap3A_66] {strides = array<i32>} : memref<128x128xf32, #tpu.memory_space<vmem>>, vector<1x16xf32>,
      %swap3A_68 = vector.shape_cast %swap3A_67 : vector<1x16xf32> to vector<16xf32>
      %swap3A_69 = vector.shape_cast %broadcast_in_dim3A_45 : vector<16xf32> to vector<1x16xf32>
      tpu.vector_store %arg6[%swap3A_65, %swap3A_66], %swap3A_69 {strides = array<i32>} : memref<128x128xf32, #tpu.memory_space<vmem>>, vector<1x16xf32>,
      %swap3A_70 = arith.index_cast %scan3A_43 : i32 to index
      %swap3A_71 = arith.constant 80 : index
      %swap3A_72 = tpu.vector_load %arg6[%swap3A_70, %swap3A_71] {strides = array<i32>} : memref<128x128xf32, #tpu.memory_space<vmem>>, vector<1x16xf32>,
      %swap3A_73 = vector.shape_cast %swap3A_72 : vector<1x16xf32> to vector<16xf32>
      %swap3A_74 = vector.shape_cast %broadcast_in_dim3A_45 : vector<16xf32> to vector<1x16xf32>
      tpu.vector_store %arg6[%swap3A_70, %swap3A_71], %swap3A_74 {strides = array<i32>} : memref<128x128xf32, #tpu.memory_space<vmem>>, vector<1x16xf32>,
      %swap3A_75 = arith.index_cast %scan3A_43 : i32 to index
      %swap3A_76 = arith.constant 96 : index
      %swap3A_77 = tpu.vector_load %arg6[%swap3A_75, %swap3A_76] {strides = array<i32>} : memref<128x128xf32, #tpu.memory_space<vmem>>, vector<1x16xf32>,
      %swap3A_78 = vector.shape_cast %swap3A_77 : vector<1x16xf32> to vector<16xf32>
      %swap3A_79 = vector.shape_cast %broadcast_in_dim3A_45 : vector<16xf32> to vector<1x16xf32>
      tpu.vector_store %arg6[%swap3A_75, %swap3A_76], %swap3A_79 {strides = array<i32>} : memref<128x128xf32, #tpu.memory_space<vmem>>, vector<1x16xf32>,
      %swap3A_80 = arith.index_cast %scan3A_43 : i32 to index
      %swap3A_81 = arith.constant 112 : index
      %swap3A_82 = tpu.vector_load %arg6[%swap3A_80, %swap3A_81] {strides = array<i32>} : memref<128x128xf32, #tpu.memory_space<vmem>>, vector<1x16xf32>,
      %swap3A_83 = vector.shape_cast %swap3A_82 : vector<1x16xf32> to vector<16xf32>
      %swap3A_84 = vector.shape_cast %broadcast_in_dim3A_45 : vector<16xf32> to vector<1x16xf32>
      tpu.vector_store %arg6[%swap3A_80, %swap3A_81], %swap3A_84 {strides = array<i32>} : memref<128x128xf32, #tpu.memory_space<vmem>>, vector<1x16xf32>,
      %scan3A_85 = arith.constant 0 : i32
      scf.yield %scan3A_85 : i32
    }
    %scan3A_35 = arith.constant 128 : i32
    %scan3A_36 = arith.constant 0 : i32
    %scan3A_37 = arith.constant 0 : i32
    %scan3A_38 = arith.constant 10 : i32
    %scan3A_39 = arith.addi %scan3A_37, %scan3A_38 : i32
    %scan3A_40 = arith.constant 1 : i32
    %scan3A_41 = scf.for %scan3A_43 = %scan3A_37 to %scan3A_39 step %scan3A_40 iter_args(%scan3A_44 = %scan3A_36) -> (i32)  : i32 {
      %mul3A_45 = arith.constant 5 : i32
      %mul3A_46 = arith.muli %scan3A_43, %mul3A_45 : i32
      %add3A_47 = arith.constant 0 : i32
      %add3A_48 = arith.addi %mul3A_46, %add3A_47 : i32
      %add3A_49 = arith.constant 5 : i32
      %add3A_50 = arith.addi %add3A_48, %add3A_49 : i32
      %sub3A = arith.constant 1 : i32
      %sub3A_51 = arith.subi %add3A_50, %sub3A : i32
      %lt3A = arith.constant 50 : i32
      %lt3A_52 = arith.cmpi slt, %sub3A_51, %lt3A : i32
      %convert_element_type3A = arith.extui %lt3A_52 : i1 to i32
      %cond3A = arith.constant 0 : i32
      %cond3A_53 = arith.cmpi ne, %convert_element_type3A, %cond3A : i32
      scf.if %cond3A_53 {
        %add3A_171 = arith.constant 5 : i32
        %add3A_172 = arith.addi %add3A_48, %add3A_171 : i32
        %sub3A_173 = arith.constant 1 : i32
        %sub3A_174 = arith.subi %add3A_172, %sub3A_173 : i32
        %dma_start3A_175 = arith.constant 0 : i32
        %dma_start3A_176 = tpu.memref_slice %arg5[%sub3A_174, %dma_start3A_175] : memref<50x128xi32, #tpu.memory_space<vmem>> -> memref<1x128xi32, #tpu.memory_space<vmem>>
        %dma_start3A_177 = tpu.memref_squeeze %dma_start3A_176 : memref<1x128xi32, #tpu.memory_space<vmem>> -> memref<128xi32, #tpu.memory_space<vmem>>
        %dma_start3A_178 = arith.constant 0 : i32
        %dma_start3A_179 = arith.constant 0 : i32
        %dma_start3A_180 = tpu.memref_slice %arg3[%dma_start3A_178, %dma_start3A_179] : memref<100000x128xf32, #tpu.memory_space<hbm>> -> memref<100000x128xf32, #tpu.memory_space<hbm>>
        tpu.enqueue_indirect_dma source(%dma_start3A_180 : memref<100000x128xf32, #tpu.memory_space<hbm>>) target(%arg11 : memref<128x128xf32, #tpu.memory_space<vmem>>) offsets(%dma_start3A_177 : memref<128xi32, #tpu.memory_space<vmem>>) semaphore(%arg16 : memref<!tpu.dma_semaphore, #tpu.memory_space<semaphore_mem>>)
      } else {
      }
      %dma_wait3A = arith.constant 0 : i32
      %dma_wait3A_54 = arith.constant 0 : i32
      %dma_wait3A_55 = tpu.memref_slice %arg3[%dma_wait3A, %dma_wait3A_54] : memref<100000x128xf32, #tpu.memory_space<hbm>> -> memref<128x128xf32, #tpu.memory_space<hbm>>
      %dma_wait3A_56 = arith.constant 0 : i32
      %dma_wait3A_57 = arith.constant 0 : i32
      %dma_wait3A_58 = tpu.memref_slice %arg3[%dma_wait3A_56, %dma_wait3A_57] : memref<100000x128xf32, #tpu.memory_space<hbm>> -> memref<128x128xf32, #tpu.memory_space<hbm>>
      tpu.wait_dma2 semaphore(%arg12 : memref<!tpu.dma_semaphore, #tpu.memory_space<semaphore_mem>>) src(%dma_wait3A_58 : memref<128x128xf32, #tpu.memory_space<hbm>>) dst(%arg7 : memref<128x128xf32, #tpu.memory_space<vmem>>)
      %scan3A_59 = arith.constant 0 : i32
      %scan3A_60 = arith.constant 0 : i32
      %scan3A_61 = arith.constant 64 : i32
      %scan3A_62 = arith.addi %scan3A_60, %scan3A_61 : i32
      %scan3A_63 = arith.constant 1 : i32
      %scan3A_64 = scf.for %scan3A_171 = %scan3A_60 to %scan3A_62 step %scan3A_63 iter_args(%scan3A_172 = %scan3A_59) -> (i32)  : i32 {
        %mul3A_173 = arith.constant 2 : i32
        %mul3A_174 = arith.muli %mul3A_173, %scan3A_171 : i32
        %add3A_175 = arith.constant 0 : i32
        %add3A_176 = arith.addi %mul3A_174, %add3A_175 : i32
        %add3A_177 = arith.constant 0 : i32
        %add3A_178 = arith.addi %mul3A_174, %add3A_177 : i32
        %get3A = arith.index_cast %add3A_178 : i32 to index
        %get3A_179 = arith.constant 0 : index
        %get3A_180 = tpu.vector_load %arg7[%get3A, %get3A_179] {strides = array<i32>} : memref<128x128xf32, #tpu.memory_space<vmem>>, vector<1x16xf32>,
        %get3A_181 = vector.shape_cast %get3A_180 : vector<1x16xf32> to vector<16xf32>
        %swap3A = arith.index_cast %add3A_176 : i32 to index
        %swap3A_182 = arith.constant 0 : index
        %swap3A_183 = tpu.vector_load %arg6[%swap3A, %swap3A_182] {strides = array<i32>} : memref<128x128xf32, #tpu.memory_space<vmem>>, vector<1x16xf32>,
        %swap3A_184 = vector.shape_cast %swap3A_183 : vector<1x16xf32> to vector<16xf32>
        %swap3A_185 = vector.shape_cast %get3A_181 : vector<16xf32> to vector<1x16xf32>
        tpu.vector_store %arg6[%swap3A, %swap3A_182], %swap3A_185 {add = true, strides = array<i32>} : memref<128x128xf32, #tpu.memory_space<vmem>>, vector<1x16xf32>,
        %add3A_186 = arith.constant 0 : i32
        %add3A_187 = arith.addi %mul3A_174, %add3A_186 : i32
        %add3A_188 = arith.constant 0 : i32
        %add3A_189 = arith.addi %mul3A_174, %add3A_188 : i32
        %get3A_190 = arith.index_cast %add3A_189 : i32 to index
        %get3A_191 = arith.constant 16 : index
        %get3A_192 = tpu.vector_load %arg7[%get3A_190, %get3A_191] {strides = array<i32>} : memref<128x128xf32, #tpu.memory_space<vmem>>, vector<1x16xf32>,
        %get3A_193 = vector.shape_cast %get3A_192 : vector<1x16xf32> to vector<16xf32>
        %swap3A_194 = arith.index_cast %add3A_187 : i32 to index
        %swap3A_195 = arith.constant 16 : index
        %swap3A_196 = tpu.vector_load %arg6[%swap3A_194, %swap3A_195] {strides = array<i32>} : memref<128x128xf32, #tpu.memory_space<vmem>>, vector<1x16xf32>,
        %swap3A_197 = vector.shape_cast %swap3A_196 : vector<1x16xf32> to vector<16xf32>
        %swap3A_198 = vector.shape_cast %get3A_193 : vector<16xf32> to vector<1x16xf32>
        tpu.vector_store %arg6[%swap3A_194, %swap3A_195], %swap3A_198 {add = true, strides = array<i32>} : memref<128x128xf32, #tpu.memory_space<vmem>>, vector<1x16xf32>,
        %add3A_199 = arith.constant 0 : i32
        %add3A_200 = arith.addi %mul3A_174, %add3A_199 : i32
        %add3A_201 = arith.constant 0 : i32
        %add3A_202 = arith.addi %mul3A_174, %add3A_201 : i32
        %get3A_203 = arith.index_cast %add3A_202 : i32 to index
        %get3A_204 = arith.constant 32 : index
        %get3A_205 = tpu.vector_load %arg7[%get3A_203, %get3A_204] {strides = array<i32>} : memref<128x128xf32, #tpu.memory_space<vmem>>, vector<1x16xf32>,
        %get3A_206 = vector.shape_cast %get3A_205 : vector<1x16xf32> to vector<16xf32>
        %swap3A_207 = arith.index_cast %add3A_200 : i32 to index
        %swap3A_208 = arith.constant 32 : index
        %swap3A_209 = tpu.vector_load %arg6[%swap3A_207, %swap3A_208] {strides = array<i32>} : memref<128x128xf32, #tpu.memory_space<vmem>>, vector<1x16xf32>,
        %swap3A_210 = vector.shape_cast %swap3A_209 : vector<1x16xf32> to vector<16xf32>
        %swap3A_211 = vector.shape_cast %get3A_206 : vector<16xf32> to vector<1x16xf32>
        tpu.vector_store %arg6[%swap3A_207, %swap3A_208], %swap3A_211 {add = true, strides = array<i32>} : memref<128x128xf32, #tpu.memory_space<vmem>>, vector<1x16xf32>,
        %add3A_212 = arith.constant 0 : i32
        %add3A_213 = arith.addi %mul3A_174, %add3A_212 : i32
        %add3A_214 = arith.constant 0 : i32
        %add3A_215 = arith.addi %mul3A_174, %add3A_214 : i32
        %get3A_216 = arith.index_cast %add3A_215 : i32 to index
        %get3A_217 = arith.constant 48 : index
        %get3A_218 = tpu.vector_load %arg7[%get3A_216, %get3A_217] {strides = array<i32>} : memref<128x128xf32, #tpu.memory_space<vmem>>, vector<1x16xf32>,
        %get3A_219 = vector.shape_cast %get3A_218 : vector<1x16xf32> to vector<16xf32>
        %swap3A_220 = arith.index_cast %add3A_213 : i32 to index
        %swap3A_221 = arith.constant 48 : index
        %swap3A_222 = tpu.vector_load %arg6[%swap3A_220, %swap3A_221] {strides = array<i32>} : memref<128x128xf32, #tpu.memory_space<vmem>>, vector<1x16xf32>,
        %swap3A_223 = vector.shape_cast %swap3A_222 : vector<1x16xf32> to vector<16xf32>
        %swap3A_224 = vector.shape_cast %get3A_219 : vector<16xf32> to vector<1x16xf32>
        tpu.vector_store %arg6[%swap3A_220, %swap3A_221], %swap3A_224 {add = true, strides = array<i32>} : memref<128x128xf32, #tpu.memory_space<vmem>>, vector<1x16xf32>,
        %add3A_225 = arith.constant 0 : i32
        %add3A_226 = arith.addi %mul3A_174, %add3A_225 : i32
        %add3A_227 = arith.constant 0 : i32
        %add3A_228 = arith.addi %mul3A_174, %add3A_227 : i32
        %get3A_229 = arith.index_cast %add3A_228 : i32 to index
        %get3A_230 = arith.constant 64 : index
        %get3A_231 = tpu.vector_load %arg7[%get3A_229, %get3A_230] {strides = array<i32>} : memref<128x128xf32, #tpu.memory_space<vmem>>, vector<1x16xf32>,
        %get3A_232 = vector.shape_cast %get3A_231 : vector<1x16xf32> to vector<16xf32>
        %swap3A_233 = arith.index_cast %add3A_226 : i32 to index
        %swap3A_234 = arith.constant 64 : index
        %swap3A_235 = tpu.vector_load %arg6[%swap3A_233, %swap3A_234] {strides = array<i32>} : memref<128x128xf32, #tpu.memory_space<vmem>>, vector<1x16xf32>,
        %swap3A_236 = vector.shape_cast %swap3A_235 : vector<1x16xf32> to vector<16xf32>
        %swap3A_237 = vector.shape_cast %get3A_232 : vector<16xf32> to vector<1x16xf32>
        tpu.vector_store %arg6[%swap3A_233, %swap3A_234], %swap3A_237 {add = true, strides = array<i32>} : memref<128x128xf32, #tpu.memory_space<vmem>>, vector<1x16xf32>,
        %add3A_238 = arith.constant 0 : i32
        %add3A_239 = arith.addi %mul3A_174, %add3A_238 : i32
        %add3A_240 = arith.constant 0 : i32
        %add3A_241 = arith.addi %mul3A_174, %add3A_240 : i32
        %get3A_242 = arith.index_cast %add3A_241 : i32 to index
        %get3A_243 = arith.constant 80 : index
        %get3A_244 = tpu.vector_load %arg7[%get3A_242, %get3A_243] {strides = array<i32>} : memref<128x128xf32, #tpu.memory_space<vmem>>, vector<1x16xf32>,
        %get3A_245 = vector.shape_cast %get3A_244 : vector<1x16xf32> to vector<16xf32>
        %swap3A_246 = arith.index_cast %add3A_239 : i32 to index
        %swap3A_247 = arith.constant 80 : index
        %swap3A_248 = tpu.vector_load %arg6[%swap3A_246, %swap3A_247] {strides = array<i32>} : memref<128x128xf32, #tpu.memory_space<vmem>>, vector<1x16xf32>,
        %swap3A_249 = vector.shape_cast %swap3A_248 : vector<1x16xf32> to vector<16xf32>
        %swap3A_250 = vector.shape_cast %get3A_245 : vector<16xf32> to vector<1x16xf32>
        tpu.vector_store %arg6[%swap3A_246, %swap3A_247], %swap3A_250 {add = true, strides = array<i32>} : memref<128x128xf32, #tpu.memory_space<vmem>>, vector<1x16xf32>,
        %add3A_251 = arith.constant 0 : i32
        %add3A_252 = arith.addi %mul3A_174, %add3A_251 : i32
        %add3A_253 = arith.constant 0 : i32
        %add3A_254 = arith.addi %mul3A_174, %add3A_253 : i32
        %get3A_255 = arith.index_cast %add3A_254 : i32 to index
        %get3A_256 = arith.constant 96 : index
        %get3A_257 = tpu.vector_load %arg7[%get3A_255, %get3A_256] {strides = array<i32>} : memref<128x128xf32, #tpu.memory_space<vmem>>, vector<1x16xf32>,
        %get3A_258 = vector.shape_cast %get3A_257 : vector<1x16xf32> to vector<16xf32>
        %swap3A_259 = arith.index_cast %add3A_252 : i32 to index
        %swap3A_260 = arith.constant 96 : index
        %swap3A_261 = tpu.vector_load %arg6[%swap3A_259, %swap3A_260] {strides = array<i32>} : memref<128x128xf32, #tpu.memory_space<vmem>>, vector<1x16xf32>,
        %swap3A_262 = vector.shape_cast %swap3A_261 : vector<1x16xf32> to vector<16xf32>
        %swap3A_263 = vector.shape_cast %get3A_258 : vector<16xf32> to vector<1x16xf32>
        tpu.vector_store %arg6[%swap3A_259, %swap3A_260], %swap3A_263 {add = true, strides = array<i32>} : memref<128x128xf32, #tpu.memory_space<vmem>>, vector<1x16xf32>,
        %add3A_264 = arith.constant 0 : i32
        %add3A_265 = arith.addi %mul3A_174, %add3A_264 : i32
        %add3A_266 = arith.constant 0 : i32
        %add3A_267 = arith.addi %mul3A_174, %add3A_266 : i32
        %get3A_268 = arith.index_cast %add3A_267 : i32 to index
        %get3A_269 = arith.constant 112 : index
        %get3A_270 = tpu.vector_load %arg7[%get3A_268, %get3A_269] {strides = array<i32>} : memref<128x128xf32, #tpu.memory_space<vmem>>, vector<1x16xf32>,
        %get3A_271 = vector.shape_cast %get3A_270 : vector<1x16xf32> to vector<16xf32>
        %swap3A_272 = arith.index_cast %add3A_265 : i32 to index
        %swap3A_273 = arith.constant 112 : index
        %swap3A_274 = tpu.vector_load %arg6[%swap3A_272, %swap3A_273] {strides = array<i32>} : memref<128x128xf32, #tpu.memory_space<vmem>>, vector<1x16xf32>,
        %swap3A_275 = vector.shape_cast %swap3A_274 : vector<1x16xf32> to vector<16xf32>
        %swap3A_276 = vector.shape_cast %get3A_271 : vector<16xf32> to vector<1x16xf32>
        tpu.vector_store %arg6[%swap3A_272, %swap3A_273], %swap3A_276 {add = true, strides = array<i32>} : memref<128x128xf32, #tpu.memory_space<vmem>>, vector<1x16xf32>,
        %add3A_277 = arith.constant 1 : i32
        %add3A_278 = arith.addi %mul3A_174, %add3A_277 : i32
        %add3A_279 = arith.constant 1 : i32
        %add3A_280 = arith.addi %mul3A_174, %add3A_279 : i32
        %get3A_281 = arith.index_cast %add3A_280 : i32 to index
        %get3A_282 = arith.constant 0 : index
        %get3A_283 = tpu.vector_load %arg7[%get3A_281, %get3A_282] {strides = array<i32>} : memref<128x128xf32, #tpu.memory_space<vmem>>, vector<1x16xf32>,
        %get3A_284 = vector.shape_cast %get3A_283 : vector<1x16xf32> to vector<16xf32>
        %swap3A_285 = arith.index_cast %add3A_278 : i32 to index
        %swap3A_286 = arith.constant 0 : index
        %swap3A_287 = tpu.vector_load %arg6[%swap3A_285, %swap3A_286] {strides = array<i32>} : memref<128x128xf32, #tpu.memory_space<vmem>>, vector<1x16xf32>,
        %swap3A_288 = vector.shape_cast %swap3A_287 : vector<1x16xf32> to vector<16xf32>
        %swap3A_289 = vector.shape_cast %get3A_284 : vector<16xf32> to vector<1x16xf32>
        tpu.vector_store %arg6[%swap3A_285, %swap3A_286], %swap3A_289 {add = true, strides = array<i32>} : memref<128x128xf32, #tpu.memory_space<vmem>>, vector<1x16xf32>,
        %add3A_290 = arith.constant 1 : i32
        %add3A_291 = arith.addi %mul3A_174, %add3A_290 : i32
        %add3A_292 = arith.constant 1 : i32
        %add3A_293 = arith.addi %mul3A_174, %add3A_292 : i32
        %get3A_294 = arith.index_cast %add3A_293 : i32 to index
        %get3A_295 = arith.constant 16 : index
        %get3A_296 = tpu.vector_load %arg7[%get3A_294, %get3A_295] {strides = array<i32>} : memref<128x128xf32, #tpu.memory_space<vmem>>, vector<1x16xf32>,
        %get3A_297 = vector.shape_cast %get3A_296 : vector<1x16xf32> to vector<16xf32>
        %swap3A_298 = arith.index_cast %add3A_291 : i32 to index
        %swap3A_299 = arith.constant 16 : index
        %swap3A_300 = tpu.vector_load %arg6[%swap3A_298, %swap3A_299] {strides = array<i32>} : memref<128x128xf32, #tpu.memory_space<vmem>>, vector<1x16xf32>,
        %swap3A_301 = vector.shape_cast %swap3A_300 : vector<1x16xf32> to vector<16xf32>
        %swap3A_302 = vector.shape_cast %get3A_297 : vector<16xf32> to vector<1x16xf32>
        tpu.vector_store %arg6[%swap3A_298, %swap3A_299], %swap3A_302 {add = true, strides = array<i32>} : memref<128x128xf32, #tpu.memory_space<vmem>>, vector<1x16xf32>,
        %add3A_303 = arith.constant 1 : i32
        %add3A_304 = arith.addi %mul3A_174, %add3A_303 : i32
        %add3A_305 = arith.constant 1 : i32
        %add3A_306 = arith.addi %mul3A_174, %add3A_305 : i32
        %get3A_307 = arith.index_cast %add3A_306 : i32 to index
        %get3A_308 = arith.constant 32 : index
        %get3A_309 = tpu.vector_load %arg7[%get3A_307, %get3A_308] {strides = array<i32>} : memref<128x128xf32, #tpu.memory_space<vmem>>, vector<1x16xf32>,
        %get3A_310 = vector.shape_cast %get3A_309 : vector<1x16xf32> to vector<16xf32>
        %swap3A_311 = arith.index_cast %add3A_304 : i32 to index
        %swap3A_312 = arith.constant 32 : index
        %swap3A_313 = tpu.vector_load %arg6[%swap3A_311, %swap3A_312] {strides = array<i32>} : memref<128x128xf32, #tpu.memory_space<vmem>>, vector<1x16xf32>,
        %swap3A_314 = vector.shape_cast %swap3A_313 : vector<1x16xf32> to vector<16xf32>
        %swap3A_315 = vector.shape_cast %get3A_310 : vector<16xf32> to vector<1x16xf32>
        tpu.vector_store %arg6[%swap3A_311, %swap3A_312], %swap3A_315 {add = true, strides = array<i32>} : memref<128x128xf32, #tpu.memory_space<vmem>>, vector<1x16xf32>,
        %add3A_316 = arith.constant 1 : i32
        %add3A_317 = arith.addi %mul3A_174, %add3A_316 : i32
        %add3A_318 = arith.constant 1 : i32
        %add3A_319 = arith.addi %mul3A_174, %add3A_318 : i32
        %get3A_320 = arith.index_cast %add3A_319 : i32 to index
        %get3A_321 = arith.constant 48 : index
        %get3A_322 = tpu.vector_load %arg7[%get3A_320, %get3A_321] {strides = array<i32>} : memref<128x128xf32, #tpu.memory_space<vmem>>, vector<1x16xf32>,
        %get3A_323 = vector.shape_cast %get3A_322 : vector<1x16xf32> to vector<16xf32>
        %swap3A_324 = arith.index_cast %add3A_317 : i32 to index
        %swap3A_325 = arith.constant 48 : index
        %swap3A_326 = tpu.vector_load %arg6[%swap3A_324, %swap3A_325] {strides = array<i32>} : memref<128x128xf32, #tpu.memory_space<vmem>>, vector<1x16xf32>,
        %swap3A_327 = vector.shape_cast %swap3A_326 : vector<1x16xf32> to vector<16xf32>
        %swap3A_328 = vector.shape_cast %get3A_323 : vector<16xf32> to vector<1x16xf32>
        tpu.vector_store %arg6[%swap3A_324, %swap3A_325], %swap3A_328 {add = true, strides = array<i32>} : memref<128x128xf32, #tpu.memory_space<vmem>>, vector<1x16xf32>,
        %add3A_329 = arith.constant 1 : i32
        %add3A_330 = arith.addi %mul3A_174, %add3A_329 : i32
        %add3A_331 = arith.constant 1 : i32
        %add3A_332 = arith.addi %mul3A_174, %add3A_331 : i32
        %get3A_333 = arith.index_cast %add3A_332 : i32 to index
        %get3A_334 = arith.constant 64 : index
        %get3A_335 = tpu.vector_load %arg7[%get3A_333, %get3A_334] {strides = array<i32>} : memref<128x128xf32, #tpu.memory_space<vmem>>, vector<1x16xf32>,
        %get3A_336 = vector.shape_cast %get3A_335 : vector<1x16xf32> to vector<16xf32>
        %swap3A_337 = arith.index_cast %add3A_330 : i32 to index
        %swap3A_338 = arith.constant 64 : index
        %swap3A_339 = tpu.vector_load %arg6[%swap3A_337, %swap3A_338] {strides = array<i32>} : memref<128x128xf32, #tpu.memory_space<vmem>>, vector<1x16xf32>,
        %swap3A_340 = vector.shape_cast %swap3A_339 : vector<1x16xf32> to vector<16xf32>
        %swap3A_341 = vector.shape_cast %get3A_336 : vector<16xf32> to vector<1x16xf32>
        tpu.vector_store %arg6[%swap3A_337, %swap3A_338], %swap3A_341 {add = true, strides = array<i32>} : memref<128x128xf32, #tpu.memory_space<vmem>>, vector<1x16xf32>,
        %add3A_342 = arith.constant 1 : i32
        %add3A_343 = arith.addi %mul3A_174, %add3A_342 : i32
        %add3A_344 = arith.constant 1 : i32
        %add3A_345 = arith.addi %mul3A_174, %add3A_344 : i32
        %get3A_346 = arith.index_cast %add3A_345 : i32 to index
        %get3A_347 = arith.constant 80 : index
        %get3A_348 = tpu.vector_load %arg7[%get3A_346, %get3A_347] {strides = array<i32>} : memref<128x128xf32, #tpu.memory_space<vmem>>, vector<1x16xf32>,
        %get3A_349 = vector.shape_cast %get3A_348 : vector<1x16xf32> to vector<16xf32>
        %swap3A_350 = arith.index_cast %add3A_343 : i32 to index
        %swap3A_351 = arith.constant 80 : index
        %swap3A_352 = tpu.vector_load %arg6[%swap3A_350, %swap3A_351] {strides = array<i32>} : memref<128x128xf32, #tpu.memory_space<vmem>>, vector<1x16xf32>,
        %swap3A_353 = vector.shape_cast %swap3A_352 : vector<1x16xf32> to vector<16xf32>
        %swap3A_354 = vector.shape_cast %get3A_349 : vector<16xf32> to vector<1x16xf32>
        tpu.vector_store %arg6[%swap3A_350, %swap3A_351], %swap3A_354 {add = true, strides = array<i32>} : memref<128x128xf32, #tpu.memory_space<vmem>>, vector<1x16xf32>,
        %add3A_355 = arith.constant 1 : i32
        %add3A_356 = arith.addi %mul3A_174, %add3A_355 : i32
        %add3A_357 = arith.constant 1 : i32
        %add3A_358 = arith.addi %mul3A_174, %add3A_357 : i32
        %get3A_359 = arith.index_cast %add3A_358 : i32 to index
        %get3A_360 = arith.constant 96 : index
        %get3A_361 = tpu.vector_load %arg7[%get3A_359, %get3A_360] {strides = array<i32>} : memref<128x128xf32, #tpu.memory_space<vmem>>, vector<1x16xf32>,
        %get3A_362 = vector.shape_cast %get3A_361 : vector<1x16xf32> to vector<16xf32>
        %swap3A_363 = arith.index_cast %add3A_356 : i32 to index
        %swap3A_364 = arith.constant 96 : index
        %swap3A_365 = tpu.vector_load %arg6[%swap3A_363, %swap3A_364] {strides = array<i32>} : memref<128x128xf32, #tpu.memory_space<vmem>>, vector<1x16xf32>,
        %swap3A_366 = vector.shape_cast %swap3A_365 : vector<1x16xf32> to vector<16xf32>
        %swap3A_367 = vector.shape_cast %get3A_362 : vector<16xf32> to vector<1x16xf32>
        tpu.vector_store %arg6[%swap3A_363, %swap3A_364], %swap3A_367 {add = true, strides = array<i32>} : memref<128x128xf32, #tpu.memory_space<vmem>>, vector<1x16xf32>,
        %add3A_368 = arith.constant 1 : i32
        %add3A_369 = arith.addi %mul3A_174, %add3A_368 : i32
        %add3A_370 = arith.constant 1 : i32
        %add3A_371 = arith.addi %mul3A_174, %add3A_370 : i32
        %get3A_372 = arith.index_cast %add3A_371 : i32 to index
        %get3A_373 = arith.constant 112 : index
        %get3A_374 = tpu.vector_load %arg7[%get3A_372, %get3A_373] {strides = array<i32>} : memref<128x128xf32, #tpu.memory_space<vmem>>, vector<1x16xf32>,
        %get3A_375 = vector.shape_cast %get3A_374 : vector<1x16xf32> to vector<16xf32>
        %swap3A_376 = arith.index_cast %add3A_369 : i32 to index
        %swap3A_377 = arith.constant 112 : index
        %swap3A_378 = tpu.vector_load %arg6[%swap3A_376, %swap3A_377] {strides = array<i32>} : memref<128x128xf32, #tpu.memory_space<vmem>>, vector<1x16xf32>,
        %swap3A_379 = vector.shape_cast %swap3A_378 : vector<1x16xf32> to vector<16xf32>
        %swap3A_380 = vector.shape_cast %get3A_375 : vector<16xf32> to vector<1x16xf32>
        tpu.vector_store %arg6[%swap3A_376, %swap3A_377], %swap3A_380 {add = true, strides = array<i32>} : memref<128x128xf32, #tpu.memory_space<vmem>>, vector<1x16xf32>,
        %scan3A_381 = arith.constant 0 : i32
        scf.yield %scan3A_381 : i32
      }
      %scan3A_65 = arith.constant 64 : i32
      %mul3A_66 = arith.constant 5 : i32
      %mul3A_67 = arith.muli %scan3A_43, %mul3A_66 : i32
      %add3A_68 = arith.constant 1 : i32
      %add3A_69 = arith.addi %mul3A_67, %add3A_68 : i32
      %add3A_70 = arith.constant 5 : i32
      %add3A_71 = arith.addi %add3A_69, %add3A_70 : i32
      %sub3A_72 = arith.constant 1 : i32
      %sub3A_73 = arith.subi %add3A_71, %sub3A_72 : i32
      %lt3A_74 = arith.constant 50 : i32
      %lt3A_75 = arith.cmpi slt, %sub3A_73, %lt3A_74 : i32
      %convert_element_type3A_76 = arith.extui %lt3A_75 : i1 to i32
      %cond3A_77 = arith.constant 0 : i32
      %cond3A_78 = arith.cmpi ne, %convert_element_type3A_76, %cond3A_77 : i32
      scf.if %cond3A_78 {
        %add3A_171 = arith.constant 5 : i32
        %add3A_172 = arith.addi %add3A_69, %add3A_171 : i32
        %sub3A_173 = arith.constant 1 : i32
        %sub3A_174 = arith.subi %add3A_172, %sub3A_173 : i32
        %dma_start3A_175 = arith.constant 0 : i32
        %dma_start3A_176 = tpu.memref_slice %arg5[%sub3A_174, %dma_start3A_175] : memref<50x128xi32, #tpu.memory_space<vmem>> -> memref<1x128xi32, #tpu.memory_space<vmem>>
        %dma_start3A_177 = tpu.memref_squeeze %dma_start3A_176 : memref<1x128xi32, #tpu.memory_space<vmem>> -> memref<128xi32, #tpu.memory_space<vmem>>
        %dma_start3A_178 = arith.constant 0 : i32
        %dma_start3A_179 = arith.constant 0 : i32
        %dma_start3A_180 = tpu.memref_slice %arg3[%dma_start3A_178, %dma_start3A_179] : memref<100000x128xf32, #tpu.memory_space<hbm>> -> memref<100000x128xf32, #tpu.memory_space<hbm>>
        tpu.enqueue_indirect_dma source(%dma_start3A_180 : memref<100000x128xf32, #tpu.memory_space<hbm>>) target(%arg7 : memref<128x128xf32, #tpu.memory_space<vmem>>) offsets(%dma_start3A_177 : memref<128xi32, #tpu.memory_space<vmem>>) semaphore(%arg12 : memref<!tpu.dma_semaphore, #tpu.memory_space<semaphore_mem>>)
      } else {
      }
      %dma_wait3A_79 = arith.constant 0 : i32
      %dma_wait3A_80 = arith.constant 0 : i32
      %dma_wait3A_81 = tpu.memref_slice %arg3[%dma_wait3A_79, %dma_wait3A_80] : memref<100000x128xf32, #tpu.memory_space<hbm>> -> memref<128x128xf32, #tpu.memory_space<hbm>>
      %dma_wait3A_82 = arith.constant 0 : i32
      %dma_wait3A_83 = arith.constant 0 : i32
      %dma_wait3A_84 = tpu.memref_slice %arg3[%dma_wait3A_82, %dma_wait3A_83] : memref<100000x128xf32, #tpu.memory_space<hbm>> -> memref<128x128xf32, #tpu.memory_space<hbm>>
      tpu.wait_dma2 semaphore(%arg13 : memref<!tpu.dma_semaphore, #tpu.memory_space<semaphore_mem>>) src(%dma_wait3A_84 : memref<128x128xf32, #tpu.memory_space<hbm>>) dst(%arg8 : memref<128x128xf32, #tpu.memory_space<vmem>>)
      %scan3A_85 = arith.constant 0 : i32
      %scan3A_86 = arith.constant 0 : i32
      %scan3A_87 = arith.constant 64 : i32
      %scan3A_88 = arith.addi %scan3A_86, %scan3A_87 : i32
      %scan3A_89 = arith.constant 1 : i32
      %scan3A_90 = scf.for %scan3A_171 = %scan3A_86 to %scan3A_88 step %scan3A_89 iter_args(%scan3A_172 = %scan3A_85) -> (i32)  : i32 {
        %mul3A_173 = arith.constant 2 : i32
        %mul3A_174 = arith.muli %mul3A_173, %scan3A_171 : i32
        %add3A_175 = arith.constant 0 : i32
        %add3A_176 = arith.addi %mul3A_174, %add3A_175 : i32
        %add3A_177 = arith.constant 0 : i32
        %add3A_178 = arith.addi %mul3A_174, %add3A_177 : i32
        %get3A = arith.index_cast %add3A_178 : i32 to index
        %get3A_179 = arith.constant 0 : index
        %get3A_180 = tpu.vector_load %arg8[%get3A, %get3A_179] {strides = array<i32>} : memref<128x128xf32, #tpu.memory_space<vmem>>, vector<1x16xf32>,
        %get3A_181 = vector.shape_cast %get3A_180 : vector<1x16xf32> to vector<16xf32>
        %swap3A = arith.index_cast %add3A_176 : i32 to index
        %swap3A_182 = arith.constant 0 : index
        %swap3A_183 = tpu.vector_load %arg6[%swap3A, %swap3A_182] {strides = array<i32>} : memref<128x128xf32, #tpu.memory_space<vmem>>, vector<1x16xf32>,
        %swap3A_184 = vector.shape_cast %swap3A_183 : vector<1x16xf32> to vector<16xf32>
        %swap3A_185 = vector.shape_cast %get3A_181 : vector<16xf32> to vector<1x16xf32>
        tpu.vector_store %arg6[%swap3A, %swap3A_182], %swap3A_185 {add = true, strides = array<i32>} : memref<128x128xf32, #tpu.memory_space<vmem>>, vector<1x16xf32>,
        %add3A_186 = arith.constant 0 : i32
        %add3A_187 = arith.addi %mul3A_174, %add3A_186 : i32
        %add3A_188 = arith.constant 0 : i32
        %add3A_189 = arith.addi %mul3A_174, %add3A_188 : i32
        %get3A_190 = arith.index_cast %add3A_189 : i32 to index
        %get3A_191 = arith.constant 16 : index
        %get3A_192 = tpu.vector_load %arg8[%get3A_190, %get3A_191] {strides = array<i32>} : memref<128x128xf32, #tpu.memory_space<vmem>>, vector<1x16xf32>,
        %get3A_193 = vector.shape_cast %get3A_192 : vector<1x16xf32> to vector<16xf32>
        %swap3A_194 = arith.index_cast %add3A_187 : i32 to index
        %swap3A_195 = arith.constant 16 : index
        %swap3A_196 = tpu.vector_load %arg6[%swap3A_194, %swap3A_195] {strides = array<i32>} : memref<128x128xf32, #tpu.memory_space<vmem>>, vector<1x16xf32>,
        %swap3A_197 = vector.shape_cast %swap3A_196 : vector<1x16xf32> to vector<16xf32>
        %swap3A_198 = vector.shape_cast %get3A_193 : vector<16xf32> to vector<1x16xf32>
        tpu.vector_store %arg6[%swap3A_194, %swap3A_195], %swap3A_198 {add = true, strides = array<i32>} : memref<128x128xf32, #tpu.memory_space<vmem>>, vector<1x16xf32>,
        %add3A_199 = arith.constant 0 : i32
        %add3A_200 = arith.addi %mul3A_174, %add3A_199 : i32
        %add3A_201 = arith.constant 0 : i32
        %add3A_202 = arith.addi %mul3A_174, %add3A_201 : i32
        %get3A_203 = arith.index_cast %add3A_202 : i32 to index
        %get3A_204 = arith.constant 32 : index
        %get3A_205 = tpu.vector_load %arg8[%get3A_203, %get3A_204] {strides = array<i32>} : memref<128x128xf32, #tpu.memory_space<vmem>>, vector<1x16xf32>,
        %get3A_206 = vector.shape_cast %get3A_205 : vector<1x16xf32> to vector<16xf32>
        %swap3A_207 = arith.index_cast %add3A_200 : i32 to index
        %swap3A_208 = arith.constant 32 : index
        %swap3A_209 = tpu.vector_load %arg6[%swap3A_207, %swap3A_208] {strides = array<i32>} : memref<128x128xf32, #tpu.memory_space<vmem>>, vector<1x16xf32>,
        %swap3A_210 = vector.shape_cast %swap3A_209 : vector<1x16xf32> to vector<16xf32>
        %swap3A_211 = vector.shape_cast %get3A_206 : vector<16xf32> to vector<1x16xf32>
        tpu.vector_store %arg6[%swap3A_207, %swap3A_208], %swap3A_211 {add = true, strides = array<i32>} : memref<128x128xf32, #tpu.memory_space<vmem>>, vector<1x16xf32>,
        %add3A_212 = arith.constant 0 : i32
        %add3A_213 = arith.addi %mul3A_174, %add3A_212 : i32
        %add3A_214 = arith.constant 0 : i32
        %add3A_215 = arith.addi %mul3A_174, %add3A_214 : i32
        %get3A_216 = arith.index_cast %add3A_215 : i32 to index
        %get3A_217 = arith.constant 48 : index
        %get3A_218 = tpu.vector_load %arg8[%get3A_216, %get3A_217] {strides = array<i32>} : memref<128x128xf32, #tpu.memory_space<vmem>>, vector<1x16xf32>,
        %get3A_219 = vector.shape_cast %get3A_218 : vector<1x16xf32> to vector<16xf32>
        %swap3A_220 = arith.index_cast %add3A_213 : i32 to index
        %swap3A_221 = arith.constant 48 : index
        %swap3A_222 = tpu.vector_load %arg6[%swap3A_220, %swap3A_221] {strides = array<i32>} : memref<128x128xf32, #tpu.memory_space<vmem>>, vector<1x16xf32>,
        %swap3A_223 = vector.shape_cast %swap3A_222 : vector<1x16xf32> to vector<16xf32>
        %swap3A_224 = vector.shape_cast %get3A_219 : vector<16xf32> to vector<1x16xf32>
        tpu.vector_store %arg6[%swap3A_220, %swap3A_221], %swap3A_224 {add = true, strides = array<i32>} : memref<128x128xf32, #tpu.memory_space<vmem>>, vector<1x16xf32>,
        %add3A_225 = arith.constant 0 : i32
        %add3A_226 = arith.addi %mul3A_174, %add3A_225 : i32
        %add3A_227 = arith.constant 0 : i32
        %add3A_228 = arith.addi %mul3A_174, %add3A_227 : i32
        %get3A_229 = arith.index_cast %add3A_228 : i32 to index
        %get3A_230 = arith.constant 64 : index
        %get3A_231 = tpu.vector_load %arg8[%get3A_229, %get3A_230] {strides = array<i32>} : memref<128x128xf32, #tpu.memory_space<vmem>>, vector<1x16xf32>,
        %get3A_232 = vector.shape_cast %get3A_231 : vector<1x16xf32> to vector<16xf32>
        %swap3A_233 = arith.index_cast %add3A_226 : i32 to index
        %swap3A_234 = arith.constant 64 : index
        %swap3A_235 = tpu.vector_load %arg6[%swap3A_233, %swap3A_234] {strides = array<i32>} : memref<128x128xf32, #tpu.memory_space<vmem>>, vector<1x16xf32>,
        %swap3A_236 = vector.shape_cast %swap3A_235 : vector<1x16xf32> to vector<16xf32>
        %swap3A_237 = vector.shape_cast %get3A_232 : vector<16xf32> to vector<1x16xf32>
        tpu.vector_store %arg6[%swap3A_233, %swap3A_234], %swap3A_237 {add = true, strides = array<i32>} : memref<128x128xf32, #tpu.memory_space<vmem>>, vector<1x16xf32>,
        %add3A_238 = arith.constant 0 : i32
        %add3A_239 = arith.addi %mul3A_174, %add3A_238 : i32
        %add3A_240 = arith.constant 0 : i32
        %add3A_241 = arith.addi %mul3A_174, %add3A_240 : i32
        %get3A_242 = arith.index_cast %add3A_241 : i32 to index
        %get3A_243 = arith.constant 80 : index
        %get3A_244 = tpu.vector_load %arg8[%get3A_242, %get3A_243] {strides = array<i32>} : memref<128x128xf32, #tpu.memory_space<vmem>>, vector<1x16xf32>,
        %get3A_245 = vector.shape_cast %get3A_244 : vector<1x16xf32> to vector<16xf32>
        %swap3A_246 = arith.index_cast %add3A_239 : i32 to index
        %swap3A_247 = arith.constant 80 : index
        %swap3A_248 = tpu.vector_load %arg6[%swap3A_246, %swap3A_247] {strides = array<i32>} : memref<128x128xf32, #tpu.memory_space<vmem>>, vector<1x16xf32>,
        %swap3A_249 = vector.shape_cast %swap3A_248 : vector<1x16xf32> to vector<16xf32>
        %swap3A_250 = vector.shape_cast %get3A_245 : vector<16xf32> to vector<1x16xf32>
        tpu.vector_store %arg6[%swap3A_246, %swap3A_247], %swap3A_250 {add = true, strides = array<i32>} : memref<128x128xf32, #tpu.memory_space<vmem>>, vector<1x16xf32>,
        %add3A_251 = arith.constant 0 : i32
        %add3A_252 = arith.addi %mul3A_174, %add3A_251 : i32
        %add3A_253 = arith.constant 0 : i32
        %add3A_254 = arith.addi %mul3A_174, %add3A_253 : i32
        %get3A_255 = arith.index_cast %add3A_254 : i32 to index
        %get3A_256 = arith.constant 96 : index
        %get3A_257 = tpu.vector_load %arg8[%get3A_255, %get3A_256] {strides = array<i32>} : memref<128x128xf32, #tpu.memory_space<vmem>>, vector<1x16xf32>,
        %get3A_258 = vector.shape_cast %get3A_257 : vector<1x16xf32> to vector<16xf32>
        %swap3A_259 = arith.index_cast %add3A_252 : i32 to index
        %swap3A_260 = arith.constant 96 : index
        %swap3A_261 = tpu.vector_load %arg6[%swap3A_259, %swap3A_260] {strides = array<i32>} : memref<128x128xf32, #tpu.memory_space<vmem>>, vector<1x16xf32>,
        %swap3A_262 = vector.shape_cast %swap3A_261 : vector<1x16xf32> to vector<16xf32>
        %swap3A_263 = vector.shape_cast %get3A_258 : vector<16xf32> to vector<1x16xf32>
        tpu.vector_store %arg6[%swap3A_259, %swap3A_260], %swap3A_263 {add = true, strides = array<i32>} : memref<128x128xf32, #tpu.memory_space<vmem>>, vector<1x16xf32>,
        %add3A_264 = arith.constant 0 : i32
        %add3A_265 = arith.addi %mul3A_174, %add3A_264 : i32
        %add3A_266 = arith.constant 0 : i32
        %add3A_267 = arith.addi %mul3A_174, %add3A_266 : i32
        %get3A_268 = arith.index_cast %add3A_267 : i32 to index
        %get3A_269 = arith.constant 112 : index
        %get3A_270 = tpu.vector_load %arg8[%get3A_268, %get3A_269] {strides = array<i32>} : memref<128x128xf32, #tpu.memory_space<vmem>>, vector<1x16xf32>,
        %get3A_271 = vector.shape_cast %get3A_270 : vector<1x16xf32> to vector<16xf32>
        %swap3A_272 = arith.index_cast %add3A_265 : i32 to index
        %swap3A_273 = arith.constant 112 : index
        %swap3A_274 = tpu.vector_load %arg6[%swap3A_272, %swap3A_273] {strides = array<i32>} : memref<128x128xf32, #tpu.memory_space<vmem>>, vector<1x16xf32>,
        %swap3A_275 = vector.shape_cast %swap3A_274 : vector<1x16xf32> to vector<16xf32>
        %swap3A_276 = vector.shape_cast %get3A_271 : vector<16xf32> to vector<1x16xf32>
        tpu.vector_store %arg6[%swap3A_272, %swap3A_273], %swap3A_276 {add = true, strides = array<i32>} : memref<128x128xf32, #tpu.memory_space<vmem>>, vector<1x16xf32>,
        %add3A_277 = arith.constant 1 : i32
        %add3A_278 = arith.addi %mul3A_174, %add3A_277 : i32
        %add3A_279 = arith.constant 1 : i32
        %add3A_280 = arith.addi %mul3A_174, %add3A_279 : i32
        %get3A_281 = arith.index_cast %add3A_280 : i32 to index
        %get3A_282 = arith.constant 0 : index
        %get3A_283 = tpu.vector_load %arg8[%get3A_281, %get3A_282] {strides = array<i32>} : memref<128x128xf32, #tpu.memory_space<vmem>>, vector<1x16xf32>,
        %get3A_284 = vector.shape_cast %get3A_283 : vector<1x16xf32> to vector<16xf32>
        %swap3A_285 = arith.index_cast %add3A_278 : i32 to index
        %swap3A_286 = arith.constant 0 : index
        %swap3A_287 = tpu.vector_load %arg6[%swap3A_285, %swap3A_286] {strides = array<i32>} : memref<128x128xf32, #tpu.memory_space<vmem>>, vector<1x16xf32>,
        %swap3A_288 = vector.shape_cast %swap3A_287 : vector<1x16xf32> to vector<16xf32>
        %swap3A_289 = vector.shape_cast %get3A_284 : vector<16xf32> to vector<1x16xf32>
        tpu.vector_store %arg6[%swap3A_285, %swap3A_286], %swap3A_289 {add = true, strides = array<i32>} : memref<128x128xf32, #tpu.memory_space<vmem>>, vector<1x16xf32>,
        %add3A_290 = arith.constant 1 : i32
        %add3A_291 = arith.addi %mul3A_174, %add3A_290 : i32
        %add3A_292 = arith.constant 1 : i32
        %add3A_293 = arith.addi %mul3A_174, %add3A_292 : i32
        %get3A_294 = arith.index_cast %add3A_293 : i32 to index
        %get3A_295 = arith.constant 16 : index
        %get3A_296 = tpu.vector_load %arg8[%get3A_294, %get3A_295] {strides = array<i32>} : memref<128x128xf32, #tpu.memory_space<vmem>>, vector<1x16xf32>,
        %get3A_297 = vector.shape_cast %get3A_296 : vector<1x16xf32> to vector<16xf32>
        %swap3A_298 = arith.index_cast %add3A_291 : i32 to index
        %swap3A_299 = arith.constant 16 : index
        %swap3A_300 = tpu.vector_load %arg6[%swap3A_298, %swap3A_299] {strides = array<i32>} : memref<128x128xf32, #tpu.memory_space<vmem>>, vector<1x16xf32>,
        %swap3A_301 = vector.shape_cast %swap3A_300 : vector<1x16xf32> to vector<16xf32>
        %swap3A_302 = vector.shape_cast %get3A_297 : vector<16xf32> to vector<1x16xf32>
        tpu.vector_store %arg6[%swap3A_298, %swap3A_299], %swap3A_302 {add = true, strides = array<i32>} : memref<128x128xf32, #tpu.memory_space<vmem>>, vector<1x16xf32>,
        %add3A_303 = arith.constant 1 : i32
        %add3A_304 = arith.addi %mul3A_174, %add3A_303 : i32
        %add3A_305 = arith.constant 1 : i32
        %add3A_306 = arith.addi %mul3A_174, %add3A_305 : i32
        %get3A_307 = arith.index_cast %add3A_306 : i32 to index
        %get3A_308 = arith.constant 32 : index
        %get3A_309 = tpu.vector_load %arg8[%get3A_307, %get3A_308] {strides = array<i32>} : memref<128x128xf32, #tpu.memory_space<vmem>>, vector<1x16xf32>,
        %get3A_310 = vector.shape_cast %get3A_309 : vector<1x16xf32> to vector<16xf32>
        %swap3A_311 = arith.index_cast %add3A_304 : i32 to index
        %swap3A_312 = arith.constant 32 : index
        %swap3A_313 = tpu.vector_load %arg6[%swap3A_311, %swap3A_312] {strides = array<i32>} : memref<128x128xf32, #tpu.memory_space<vmem>>, vector<1x16xf32>,
        %swap3A_314 = vector.shape_cast %swap3A_313 : vector<1x16xf32> to vector<16xf32>
        %swap3A_315 = vector.shape_cast %get3A_310 : vector<16xf32> to vector<1x16xf32>
        tpu.vector_store %arg6[%swap3A_311, %swap3A_312], %swap3A_315 {add = true, strides = array<i32>} : memref<128x128xf32, #tpu.memory_space<vmem>>, vector<1x16xf32>,
        %add3A_316 = arith.constant 1 : i32
        %add3A_317 = arith.addi %mul3A_174, %add3A_316 : i32
        %add3A_318 = arith.constant 1 : i32
        %add3A_319 = arith.addi %mul3A_174, %add3A_318 : i32
        %get3A_320 = arith.index_cast %add3A_319 : i32 to index
        %get3A_321 = arith.constant 48 : index
        %get3A_322 = tpu.vector_load %arg8[%get3A_320, %get3A_321] {strides = array<i32>} : memref<128x128xf32, #tpu.memory_space<vmem>>, vector<1x16xf32>,
        %get3A_323 = vector.shape_cast %get3A_322 : vector<1x16xf32> to vector<16xf32>
        %swap3A_324 = arith.index_cast %add3A_317 : i32 to index
        %swap3A_325 = arith.constant 48 : index
        %swap3A_326 = tpu.vector_load %arg6[%swap3A_324, %swap3A_325] {strides = array<i32>} : memref<128x128xf32, #tpu.memory_space<vmem>>, vector<1x16xf32>,
        %swap3A_327 = vector.shape_cast %swap3A_326 : vector<1x16xf32> to vector<16xf32>
        %swap3A_328 = vector.shape_cast %get3A_323 : vector<16xf32> to vector<1x16xf32>
        tpu.vector_store %arg6[%swap3A_324, %swap3A_325], %swap3A_328 {add = true, strides = array<i32>} : memref<128x128xf32, #tpu.memory_space<vmem>>, vector<1x16xf32>,
        %add3A_329 = arith.constant 1 : i32
        %add3A_330 = arith.addi %mul3A_174, %add3A_329 : i32
        %add3A_331 = arith.constant 1 : i32
        %add3A_332 = arith.addi %mul3A_174, %add3A_331 : i32
        %get3A_333 = arith.index_cast %add3A_332 : i32 to index
        %get3A_334 = arith.constant 64 : index
        %get3A_335 = tpu.vector_load %arg8[%get3A_333, %get3A_334] {strides = array<i32>} : memref<128x128xf32, #tpu.memory_space<vmem>>, vector<1x16xf32>,
        %get3A_336 = vector.shape_cast %get3A_335 : vector<1x16xf32> to vector<16xf32>
        %swap3A_337 = arith.index_cast %add3A_330 : i32 to index
        %swap3A_338 = arith.constant 64 : index
        %swap3A_339 = tpu.vector_load %arg6[%swap3A_337, %swap3A_338] {strides = array<i32>} : memref<128x128xf32, #tpu.memory_space<vmem>>, vector<1x16xf32>,
        %swap3A_340 = vector.shape_cast %swap3A_339 : vector<1x16xf32> to vector<16xf32>
        %swap3A_341 = vector.shape_cast %get3A_336 : vector<16xf32> to vector<1x16xf32>
        tpu.vector_store %arg6[%swap3A_337, %swap3A_338], %swap3A_341 {add = true, strides = array<i32>} : memref<128x128xf32, #tpu.memory_space<vmem>>, vector<1x16xf32>,
        %add3A_342 = arith.constant 1 : i32
        %add3A_343 = arith.addi %mul3A_174, %add3A_342 : i32
        %add3A_344 = arith.constant 1 : i32
        %add3A_345 = arith.addi %mul3A_174, %add3A_344 : i32
        %get3A_346 = arith.index_cast %add3A_345 : i32 to index
        %get3A_347 = arith.constant 80 : index
        %get3A_348 = tpu.vector_load %arg8[%get3A_346, %get3A_347] {strides = array<i32>} : memref<128x128xf32, #tpu.memory_space<vmem>>, vector<1x16xf32>,
        %get3A_349 = vector.shape_cast %get3A_348 : vector<1x16xf32> to vector<16xf32>
        %swap3A_350 = arith.index_cast %add3A_343 : i32 to index
        %swap3A_351 = arith.constant 80 : index
        %swap3A_352 = tpu.vector_load %arg6[%swap3A_350, %swap3A_351] {strides = array<i32>} : memref<128x128xf32, #tpu.memory_space<vmem>>, vector<1x16xf32>,
        %swap3A_353 = vector.shape_cast %swap3A_352 : vector<1x16xf32> to vector<16xf32>
        %swap3A_354 = vector.shape_cast %get3A_349 : vector<16xf32> to vector<1x16xf32>
        tpu.vector_store %arg6[%swap3A_350, %swap3A_351], %swap3A_354 {add = true, strides = array<i32>} : memref<128x128xf32, #tpu.memory_space<vmem>>, vector<1x16xf32>,
        %add3A_355 = arith.constant 1 : i32
        %add3A_356 = arith.addi %mul3A_174, %add3A_355 : i32
        %add3A_357 = arith.constant 1 : i32
        %add3A_358 = arith.addi %mul3A_174, %add3A_357 : i32
        %get3A_359 = arith.index_cast %add3A_358 : i32 to index
        %get3A_360 = arith.constant 96 : index
        %get3A_361 = tpu.vector_load %arg8[%get3A_359, %get3A_360] {strides = array<i32>} : memref<128x128xf32, #tpu.memory_space<vmem>>, vector<1x16xf32>,
        %get3A_362 = vector.shape_cast %get3A_361 : vector<1x16xf32> to vector<16xf32>
        %swap3A_363 = arith.index_cast %add3A_356 : i32 to index
        %swap3A_364 = arith.constant 96 : index
        %swap3A_365 = tpu.vector_load %arg6[%swap3A_363, %swap3A_364] {strides = array<i32>} : memref<128x128xf32, #tpu.memory_space<vmem>>, vector<1x16xf32>,
        %swap3A_366 = vector.shape_cast %swap3A_365 : vector<1x16xf32> to vector<16xf32>
        %swap3A_367 = vector.shape_cast %get3A_362 : vector<16xf32> to vector<1x16xf32>
        tpu.vector_store %arg6[%swap3A_363, %swap3A_364], %swap3A_367 {add = true, strides = array<i32>} : memref<128x128xf32, #tpu.memory_space<vmem>>, vector<1x16xf32>,
        %add3A_368 = arith.constant 1 : i32
        %add3A_369 = arith.addi %mul3A_174, %add3A_368 : i32
        %add3A_370 = arith.constant 1 : i32
        %add3A_371 = arith.addi %mul3A_174, %add3A_370 : i32
        %get3A_372 = arith.index_cast %add3A_371 : i32 to index
        %get3A_373 = arith.constant 112 : index
        %get3A_374 = tpu.vector_load %arg8[%get3A_372, %get3A_373] {strides = array<i32>} : memref<128x128xf32, #tpu.memory_space<vmem>>, vector<1x16xf32>,
        %get3A_375 = vector.shape_cast %get3A_374 : vector<1x16xf32> to vector<16xf32>
        %swap3A_376 = arith.index_cast %add3A_369 : i32 to index
        %swap3A_377 = arith.constant 112 : index
        %swap3A_378 = tpu.vector_load %arg6[%swap3A_376, %swap3A_377] {strides = array<i32>} : memref<128x128xf32, #tpu.memory_space<vmem>>, vector<1x16xf32>,
        %swap3A_379 = vector.shape_cast %swap3A_378 : vector<1x16xf32> to vector<16xf32>
        %swap3A_380 = vector.shape_cast %get3A_375 : vector<16xf32> to vector<1x16xf32>
        tpu.vector_store %arg6[%swap3A_376, %swap3A_377], %swap3A_380 {add = true, strides = array<i32>} : memref<128x128xf32, #tpu.memory_space<vmem>>, vector<1x16xf32>,
        %scan3A_381 = arith.constant 0 : i32
        scf.yield %scan3A_381 : i32
      }
      %scan3A_91 = arith.constant 64 : i32
      %mul3A_92 = arith.constant 5 : i32
      %mul3A_93 = arith.muli %scan3A_43, %mul3A_92 : i32
      %add3A_94 = arith.constant 2 : i32
      %add3A_95 = arith.addi %mul3A_93, %add3A_94 : i32
      %add3A_96 = arith.constant 5 : i32
      %add3A_97 = arith.addi %add3A_95, %add3A_96 : i32
      %sub3A_98 = arith.constant 1 : i32
      %sub3A_99 = arith.subi %add3A_97, %sub3A_98 : i32
      %lt3A_100 = arith.constant 50 : i32
      %lt3A_101 = arith.cmpi slt, %sub3A_99, %lt3A_100 : i32
      %convert_element_type3A_102 = arith.extui %lt3A_101 : i1 to i32
      %cond3A_103 = arith.constant 0 : i32
      %cond3A_104 = arith.cmpi ne, %convert_element_type3A_102, %cond3A_103 : i32
      scf.if %cond3A_104 {
        %add3A_171 = arith.constant 5 : i32
        %add3A_172 = arith.addi %add3A_95, %add3A_171 : i32
        %sub3A_173 = arith.constant 1 : i32
        %sub3A_174 = arith.subi %add3A_172, %sub3A_173 : i32
        %dma_start3A_175 = arith.constant 0 : i32
        %dma_start3A_176 = tpu.memref_slice %arg5[%sub3A_174, %dma_start3A_175] : memref<50x128xi32, #tpu.memory_space<vmem>> -> memref<1x128xi32, #tpu.memory_space<vmem>>
        %dma_start3A_177 = tpu.memref_squeeze %dma_start3A_176 : memref<1x128xi32, #tpu.memory_space<vmem>> -> memref<128xi32, #tpu.memory_space<vmem>>
        %dma_start3A_178 = arith.constant 0 : i32
        %dma_start3A_179 = arith.constant 0 : i32
        %dma_start3A_180 = tpu.memref_slice %arg3[%dma_start3A_178, %dma_start3A_179] : memref<100000x128xf32, #tpu.memory_space<hbm>> -> memref<100000x128xf32, #tpu.memory_space<hbm>>
        tpu.enqueue_indirect_dma source(%dma_start3A_180 : memref<100000x128xf32, #tpu.memory_space<hbm>>) target(%arg8 : memref<128x128xf32, #tpu.memory_space<vmem>>) offsets(%dma_start3A_177 : memref<128xi32, #tpu.memory_space<vmem>>) semaphore(%arg13 : memref<!tpu.dma_semaphore, #tpu.memory_space<semaphore_mem>>)
      } else {
      }
      %dma_wait3A_105 = arith.constant 0 : i32
      %dma_wait3A_106 = arith.constant 0 : i32
      %dma_wait3A_107 = tpu.memref_slice %arg3[%dma_wait3A_105, %dma_wait3A_106] : memref<100000x128xf32, #tpu.memory_space<hbm>> -> memref<128x128xf32, #tpu.memory_space<hbm>>
      %dma_wait3A_108 = arith.constant 0 : i32
      %dma_wait3A_109 = arith.constant 0 : i32
      %dma_wait3A_110 = tpu.memref_slice %arg3[%dma_wait3A_108, %dma_wait3A_109] : memref<100000x128xf32, #tpu.memory_space<hbm>> -> memref<128x128xf32, #tpu.memory_space<hbm>>
      tpu.wait_dma2 semaphore(%arg14 : memref<!tpu.dma_semaphore, #tpu.memory_space<semaphore_mem>>) src(%dma_wait3A_110 : memref<128x128xf32, #tpu.memory_space<hbm>>) dst(%arg9 : memref<128x128xf32, #tpu.memory_space<vmem>>)
      %scan3A_111 = arith.constant 0 : i32
      %scan3A_112 = arith.constant 0 : i32
      %scan3A_113 = arith.constant 64 : i32
      %scan3A_114 = arith.addi %scan3A_112, %scan3A_113 : i32
      %scan3A_115 = arith.constant 1 : i32
      %scan3A_116 = scf.for %scan3A_171 = %scan3A_112 to %scan3A_114 step %scan3A_115 iter_args(%scan3A_172 = %scan3A_111) -> (i32)  : i32 {
        %mul3A_173 = arith.constant 2 : i32
        %mul3A_174 = arith.muli %mul3A_173, %scan3A_171 : i32
        %add3A_175 = arith.constant 0 : i32
        %add3A_176 = arith.addi %mul3A_174, %add3A_175 : i32
        %add3A_177 = arith.constant 0 : i32
        %add3A_178 = arith.addi %mul3A_174, %add3A_177 : i32
        %get3A = arith.index_cast %add3A_178 : i32 to index
        %get3A_179 = arith.constant 0 : index
        %get3A_180 = tpu.vector_load %arg9[%get3A, %get3A_179] {strides = array<i32>} : memref<128x128xf32, #tpu.memory_space<vmem>>, vector<1x16xf32>,
        %get3A_181 = vector.shape_cast %get3A_180 : vector<1x16xf32> to vector<16xf32>
        %swap3A = arith.index_cast %add3A_176 : i32 to index
        %swap3A_182 = arith.constant 0 : index
        %swap3A_183 = tpu.vector_load %arg6[%swap3A, %swap3A_182] {strides = array<i32>} : memref<128x128xf32, #tpu.memory_space<vmem>>, vector<1x16xf32>,
        %swap3A_184 = vector.shape_cast %swap3A_183 : vector<1x16xf32> to vector<16xf32>
        %swap3A_185 = vector.shape_cast %get3A_181 : vector<16xf32> to vector<1x16xf32>
        tpu.vector_store %arg6[%swap3A, %swap3A_182], %swap3A_185 {add = true, strides = array<i32>} : memref<128x128xf32, #tpu.memory_space<vmem>>, vector<1x16xf32>,
        %add3A_186 = arith.constant 0 : i32
        %add3A_187 = arith.addi %mul3A_174, %add3A_186 : i32
        %add3A_188 = arith.constant 0 : i32
        %add3A_189 = arith.addi %mul3A_174, %add3A_188 : i32
        %get3A_190 = arith.index_cast %add3A_189 : i32 to index
        %get3A_191 = arith.constant 16 : index
        %get3A_192 = tpu.vector_load %arg9[%get3A_190, %get3A_191] {strides = array<i32>} : memref<128x128xf32, #tpu.memory_space<vmem>>, vector<1x16xf32>,
        %get3A_193 = vector.shape_cast %get3A_192 : vector<1x16xf32> to vector<16xf32>
        %swap3A_194 = arith.index_cast %add3A_187 : i32 to index
        %swap3A_195 = arith.constant 16 : index
        %swap3A_196 = tpu.vector_load %arg6[%swap3A_194, %swap3A_195] {strides = array<i32>} : memref<128x128xf32, #tpu.memory_space<vmem>>, vector<1x16xf32>,
        %swap3A_197 = vector.shape_cast %swap3A_196 : vector<1x16xf32> to vector<16xf32>
        %swap3A_198 = vector.shape_cast %get3A_193 : vector<16xf32> to vector<1x16xf32>
        tpu.vector_store %arg6[%swap3A_194, %swap3A_195], %swap3A_198 {add = true, strides = array<i32>} : memref<128x128xf32, #tpu.memory_space<vmem>>, vector<1x16xf32>,
        %add3A_199 = arith.constant 0 : i32
        %add3A_200 = arith.addi %mul3A_174, %add3A_199 : i32
        %add3A_201 = arith.constant 0 : i32
        %add3A_202 = arith.addi %mul3A_174, %add3A_201 : i32
        %get3A_203 = arith.index_cast %add3A_202 : i32 to index
        %get3A_204 = arith.constant 32 : index
        %get3A_205 = tpu.vector_load %arg9[%get3A_203, %get3A_204] {strides = array<i32>} : memref<128x128xf32, #tpu.memory_space<vmem>>, vector<1x16xf32>,
        %get3A_206 = vector.shape_cast %get3A_205 : vector<1x16xf32> to vector<16xf32>
        %swap3A_207 = arith.index_cast %add3A_200 : i32 to index
        %swap3A_208 = arith.constant 32 : index
        %swap3A_209 = tpu.vector_load %arg6[%swap3A_207, %swap3A_208] {strides = array<i32>} : memref<128x128xf32, #tpu.memory_space<vmem>>, vector<1x16xf32>,
        %swap3A_210 = vector.shape_cast %swap3A_209 : vector<1x16xf32> to vector<16xf32>
        %swap3A_211 = vector.shape_cast %get3A_206 : vector<16xf32> to vector<1x16xf32>
        tpu.vector_store %arg6[%swap3A_207, %swap3A_208], %swap3A_211 {add = true, strides = array<i32>} : memref<128x128xf32, #tpu.memory_space<vmem>>, vector<1x16xf32>,
        %add3A_212 = arith.constant 0 : i32
        %add3A_213 = arith.addi %mul3A_174, %add3A_212 : i32
        %add3A_214 = arith.constant 0 : i32
        %add3A_215 = arith.addi %mul3A_174, %add3A_214 : i32
        %get3A_216 = arith.index_cast %add3A_215 : i32 to index
        %get3A_217 = arith.constant 48 : index
        %get3A_218 = tpu.vector_load %arg9[%get3A_216, %get3A_217] {strides = array<i32>} : memref<128x128xf32, #tpu.memory_space<vmem>>, vector<1x16xf32>,
        %get3A_219 = vector.shape_cast %get3A_218 : vector<1x16xf32> to vector<16xf32>
        %swap3A_220 = arith.index_cast %add3A_213 : i32 to index
        %swap3A_221 = arith.constant 48 : index
        %swap3A_222 = tpu.vector_load %arg6[%swap3A_220, %swap3A_221] {strides = array<i32>} : memref<128x128xf32, #tpu.memory_space<vmem>>, vector<1x16xf32>,
        %swap3A_223 = vector.shape_cast %swap3A_222 : vector<1x16xf32> to vector<16xf32>
        %swap3A_224 = vector.shape_cast %get3A_219 : vector<16xf32> to vector<1x16xf32>
        tpu.vector_store %arg6[%swap3A_220, %swap3A_221], %swap3A_224 {add = true, strides = array<i32>} : memref<128x128xf32, #tpu.memory_space<vmem>>, vector<1x16xf32>,
        %add3A_225 = arith.constant 0 : i32
        %add3A_226 = arith.addi %mul3A_174, %add3A_225 : i32
        %add3A_227 = arith.constant 0 : i32
        %add3A_228 = arith.addi %mul3A_174, %add3A_227 : i32
        %get3A_229 = arith.index_cast %add3A_228 : i32 to index
        %get3A_230 = arith.constant 64 : index
        %get3A_231 = tpu.vector_load %arg9[%get3A_229, %get3A_230] {strides = array<i32>} : memref<128x128xf32, #tpu.memory_space<vmem>>, vector<1x16xf32>,
        %get3A_232 = vector.shape_cast %get3A_231 : vector<1x16xf32> to vector<16xf32>
        %swap3A_233 = arith.index_cast %add3A_226 : i32 to index
        %swap3A_234 = arith.constant 64 : index
        %swap3A_235 = tpu.vector_load %arg6[%swap3A_233, %swap3A_234] {strides = array<i32>} : memref<128x128xf32, #tpu.memory_space<vmem>>, vector<1x16xf32>,
        %swap3A_236 = vector.shape_cast %swap3A_235 : vector<1x16xf32> to vector<16xf32>
        %swap3A_237 = vector.shape_cast %get3A_232 : vector<16xf32> to vector<1x16xf32>
        tpu.vector_store %arg6[%swap3A_233, %swap3A_234], %swap3A_237 {add = true, strides = array<i32>} : memref<128x128xf32, #tpu.memory_space<vmem>>, vector<1x16xf32>,
        %add3A_238 = arith.constant 0 : i32
        %add3A_239 = arith.addi %mul3A_174, %add3A_238 : i32
        %add3A_240 = arith.constant 0 : i32
        %add3A_241 = arith.addi %mul3A_174, %add3A_240 : i32
        %get3A_242 = arith.index_cast %add3A_241 : i32 to index
        %get3A_243 = arith.constant 80 : index
        %get3A_244 = tpu.vector_load %arg9[%get3A_242, %get3A_243] {strides = array<i32>} : memref<128x128xf32, #tpu.memory_space<vmem>>, vector<1x16xf32>,
        %get3A_245 = vector.shape_cast %get3A_244 : vector<1x16xf32> to vector<16xf32>
        %swap3A_246 = arith.index_cast %add3A_239 : i32 to index
        %swap3A_247 = arith.constant 80 : index
        %swap3A_248 = tpu.vector_load %arg6[%swap3A_246, %swap3A_247] {strides = array<i32>} : memref<128x128xf32, #tpu.memory_space<vmem>>, vector<1x16xf32>,
        %swap3A_249 = vector.shape_cast %swap3A_248 : vector<1x16xf32> to vector<16xf32>
        %swap3A_250 = vector.shape_cast %get3A_245 : vector<16xf32> to vector<1x16xf32>
        tpu.vector_store %arg6[%swap3A_246, %swap3A_247], %swap3A_250 {add = true, strides = array<i32>} : memref<128x128xf32, #tpu.memory_space<vmem>>, vector<1x16xf32>,
        %add3A_251 = arith.constant 0 : i32
        %add3A_252 = arith.addi %mul3A_174, %add3A_251 : i32
        %add3A_253 = arith.constant 0 : i32
        %add3A_254 = arith.addi %mul3A_174, %add3A_253 : i32
        %get3A_255 = arith.index_cast %add3A_254 : i32 to index
        %get3A_256 = arith.constant 96 : index
        %get3A_257 = tpu.vector_load %arg9[%get3A_255, %get3A_256] {strides = array<i32>} : memref<128x128xf32, #tpu.memory_space<vmem>>, vector<1x16xf32>,
        %get3A_258 = vector.shape_cast %get3A_257 : vector<1x16xf32> to vector<16xf32>
        %swap3A_259 = arith.index_cast %add3A_252 : i32 to index
        %swap3A_260 = arith.constant 96 : index
        %swap3A_261 = tpu.vector_load %arg6[%swap3A_259, %swap3A_260] {strides = array<i32>} : memref<128x128xf32, #tpu.memory_space<vmem>>, vector<1x16xf32>,
        %swap3A_262 = vector.shape_cast %swap3A_261 : vector<1x16xf32> to vector<16xf32>
        %swap3A_263 = vector.shape_cast %get3A_258 : vector<16xf32> to vector<1x16xf32>
        tpu.vector_store %arg6[%swap3A_259, %swap3A_260], %swap3A_263 {add = true, strides = array<i32>} : memref<128x128xf32, #tpu.memory_space<vmem>>, vector<1x16xf32>,
        %add3A_264 = arith.constant 0 : i32
        %add3A_265 = arith.addi %mul3A_174, %add3A_264 : i32
        %add3A_266 = arith.constant 0 : i32
        %add3A_267 = arith.addi %mul3A_174, %add3A_266 : i32
        %get3A_268 = arith.index_cast %add3A_267 : i32 to index
        %get3A_269 = arith.constant 112 : index
        %get3A_270 = tpu.vector_load %arg9[%get3A_268, %get3A_269] {strides = array<i32>} : memref<128x128xf32, #tpu.memory_space<vmem>>, vector<1x16xf32>,
        %get3A_271 = vector.shape_cast %get3A_270 : vector<1x16xf32> to vector<16xf32>
        %swap3A_272 = arith.index_cast %add3A_265 : i32 to index
        %swap3A_273 = arith.constant 112 : index
        %swap3A_274 = tpu.vector_load %arg6[%swap3A_272, %swap3A_273] {strides = array<i32>} : memref<128x128xf32, #tpu.memory_space<vmem>>, vector<1x16xf32>,
        %swap3A_275 = vector.shape_cast %swap3A_274 : vector<1x16xf32> to vector<16xf32>
        %swap3A_276 = vector.shape_cast %get3A_271 : vector<16xf32> to vector<1x16xf32>
        tpu.vector_store %arg6[%swap3A_272, %swap3A_273], %swap3A_276 {add = true, strides = array<i32>} : memref<128x128xf32, #tpu.memory_space<vmem>>, vector<1x16xf32>,
        %add3A_277 = arith.constant 1 : i32
        %add3A_278 = arith.addi %mul3A_174, %add3A_277 : i32
        %add3A_279 = arith.constant 1 : i32
        %add3A_280 = arith.addi %mul3A_174, %add3A_279 : i32
        %get3A_281 = arith.index_cast %add3A_280 : i32 to index
        %get3A_282 = arith.constant 0 : index
        %get3A_283 = tpu.vector_load %arg9[%get3A_281, %get3A_282] {strides = array<i32>} : memref<128x128xf32, #tpu.memory_space<vmem>>, vector<1x16xf32>,
        %get3A_284 = vector.shape_cast %get3A_283 : vector<1x16xf32> to vector<16xf32>
        %swap3A_285 = arith.index_cast %add3A_278 : i32 to index
        %swap3A_286 = arith.constant 0 : index
        %swap3A_287 = tpu.vector_load %arg6[%swap3A_285, %swap3A_286] {strides = array<i32>} : memref<128x128xf32, #tpu.memory_space<vmem>>, vector<1x16xf32>,
        %swap3A_288 = vector.shape_cast %swap3A_287 : vector<1x16xf32> to vector<16xf32>
        %swap3A_289 = vector.shape_cast %get3A_284 : vector<16xf32> to vector<1x16xf32>
        tpu.vector_store %arg6[%swap3A_285, %swap3A_286], %swap3A_289 {add = true, strides = array<i32>} : memref<128x128xf32, #tpu.memory_space<vmem>>, vector<1x16xf32>,
        %add3A_290 = arith.constant 1 : i32
        %add3A_291 = arith.addi %mul3A_174, %add3A_290 : i32
        %add3A_292 = arith.constant 1 : i32
        %add3A_293 = arith.addi %mul3A_174, %add3A_292 : i32
        %get3A_294 = arith.index_cast %add3A_293 : i32 to index
        %get3A_295 = arith.constant 16 : index
        %get3A_296 = tpu.vector_load %arg9[%get3A_294, %get3A_295] {strides = array<i32>} : memref<128x128xf32, #tpu.memory_space<vmem>>, vector<1x16xf32>,
        %get3A_297 = vector.shape_cast %get3A_296 : vector<1x16xf32> to vector<16xf32>
        %swap3A_298 = arith.index_cast %add3A_291 : i32 to index
        %swap3A_299 = arith.constant 16 : index
        %swap3A_300 = tpu.vector_load %arg6[%swap3A_298, %swap3A_299] {strides = array<i32>} : memref<128x128xf32, #tpu.memory_space<vmem>>, vector<1x16xf32>,
        %swap3A_301 = vector.shape_cast %swap3A_300 : vector<1x16xf32> to vector<16xf32>
        %swap3A_302 = vector.shape_cast %get3A_297 : vector<16xf32> to vector<1x16xf32>
        tpu.vector_store %arg6[%swap3A_298, %swap3A_299], %swap3A_302 {add = true, strides = array<i32>} : memref<128x128xf32, #tpu.memory_space<vmem>>, vector<1x16xf32>,
        %add3A_303 = arith.constant 1 : i32
        %add3A_304 = arith.addi %mul3A_174, %add3A_303 : i32
        %add3A_305 = arith.constant 1 : i32
        %add3A_306 = arith.addi %mul3A_174, %add3A_305 : i32
        %get3A_307 = arith.index_cast %add3A_306 : i32 to index
        %get3A_308 = arith.constant 32 : index
        %get3A_309 = tpu.vector_load %arg9[%get3A_307, %get3A_308] {strides = array<i32>} : memref<128x128xf32, #tpu.memory_space<vmem>>, vector<1x16xf32>,
        %get3A_310 = vector.shape_cast %get3A_309 : vector<1x16xf32> to vector<16xf32>
        %swap3A_311 = arith.index_cast %add3A_304 : i32 to index
        %swap3A_312 = arith.constant 32 : index
        %swap3A_313 = tpu.vector_load %arg6[%swap3A_311, %swap3A_312] {strides = array<i32>} : memref<128x128xf32, #tpu.memory_space<vmem>>, vector<1x16xf32>,
        %swap3A_314 = vector.shape_cast %swap3A_313 : vector<1x16xf32> to vector<16xf32>
        %swap3A_315 = vector.shape_cast %get3A_310 : vector<16xf32> to vector<1x16xf32>
        tpu.vector_store %arg6[%swap3A_311, %swap3A_312], %swap3A_315 {add = true, strides = array<i32>} : memref<128x128xf32, #tpu.memory_space<vmem>>, vector<1x16xf32>,
        %add3A_316 = arith.constant 1 : i32
        %add3A_317 = arith.addi %mul3A_174, %add3A_316 : i32
        %add3A_318 = arith.constant 1 : i32
        %add3A_319 = arith.addi %mul3A_174, %add3A_318 : i32
        %get3A_320 = arith.index_cast %add3A_319 : i32 to index
        %get3A_321 = arith.constant 48 : index
        %get3A_322 = tpu.vector_load %arg9[%get3A_320, %get3A_321] {strides = array<i32>} : memref<128x128xf32, #tpu.memory_space<vmem>>, vector<1x16xf32>,
        %get3A_323 = vector.shape_cast %get3A_322 : vector<1x16xf32> to vector<16xf32>
        %swap3A_324 = arith.index_cast %add3A_317 : i32 to index
        %swap3A_325 = arith.constant 48 : index
        %swap3A_326 = tpu.vector_load %arg6[%swap3A_324, %swap3A_325] {strides = array<i32>} : memref<128x128xf32, #tpu.memory_space<vmem>>, vector<1x16xf32>,
        %swap3A_327 = vector.shape_cast %swap3A_326 : vector<1x16xf32> to vector<16xf32>
        %swap3A_328 = vector.shape_cast %get3A_323 : vector<16xf32> to vector<1x16xf32>
        tpu.vector_store %arg6[%swap3A_324, %swap3A_325], %swap3A_328 {add = true, strides = array<i32>} : memref<128x128xf32, #tpu.memory_space<vmem>>, vector<1x16xf32>,
        %add3A_329 = arith.constant 1 : i32
        %add3A_330 = arith.addi %mul3A_174, %add3A_329 : i32
        %add3A_331 = arith.constant 1 : i32
        %add3A_332 = arith.addi %mul3A_174, %add3A_331 : i32
        %get3A_333 = arith.index_cast %add3A_332 : i32 to index
        %get3A_334 = arith.constant 64 : index
        %get3A_335 = tpu.vector_load %arg9[%get3A_333, %get3A_334] {strides = array<i32>} : memref<128x128xf32, #tpu.memory_space<vmem>>, vector<1x16xf32>,
        %get3A_336 = vector.shape_cast %get3A_335 : vector<1x16xf32> to vector<16xf32>
        %swap3A_337 = arith.index_cast %add3A_330 : i32 to index
        %swap3A_338 = arith.constant 64 : index
        %swap3A_339 = tpu.vector_load %arg6[%swap3A_337, %swap3A_338] {strides = array<i32>} : memref<128x128xf32, #tpu.memory_space<vmem>>, vector<1x16xf32>,
        %swap3A_340 = vector.shape_cast %swap3A_339 : vector<1x16xf32> to vector<16xf32>
        %swap3A_341 = vector.shape_cast %get3A_336 : vector<16xf32> to vector<1x16xf32>
        tpu.vector_store %arg6[%swap3A_337, %swap3A_338], %swap3A_341 {add = true, strides = array<i32>} : memref<128x128xf32, #tpu.memory_space<vmem>>, vector<1x16xf32>,
        %add3A_342 = arith.constant 1 : i32
        %add3A_343 = arith.addi %mul3A_174, %add3A_342 : i32
        %add3A_344 = arith.constant 1 : i32
        %add3A_345 = arith.addi %mul3A_174, %add3A_344 : i32
        %get3A_346 = arith.index_cast %add3A_345 : i32 to index
        %get3A_347 = arith.constant 80 : index
        %get3A_348 = tpu.vector_load %arg9[%get3A_346, %get3A_347] {strides = array<i32>} : memref<128x128xf32, #tpu.memory_space<vmem>>, vector<1x16xf32>,
        %get3A_349 = vector.shape_cast %get3A_348 : vector<1x16xf32> to vector<16xf32>
        %swap3A_350 = arith.index_cast %add3A_343 : i32 to index
        %swap3A_351 = arith.constant 80 : index
        %swap3A_352 = tpu.vector_load %arg6[%swap3A_350, %swap3A_351] {strides = array<i32>} : memref<128x128xf32, #tpu.memory_space<vmem>>, vector<1x16xf32>,
        %swap3A_353 = vector.shape_cast %swap3A_352 : vector<1x16xf32> to vector<16xf32>
        %swap3A_354 = vector.shape_cast %get3A_349 : vector<16xf32> to vector<1x16xf32>
        tpu.vector_store %arg6[%swap3A_350, %swap3A_351], %swap3A_354 {add = true, strides = array<i32>} : memref<128x128xf32, #tpu.memory_space<vmem>>, vector<1x16xf32>,
        %add3A_355 = arith.constant 1 : i32
        %add3A_356 = arith.addi %mul3A_174, %add3A_355 : i32
        %add3A_357 = arith.constant 1 : i32
        %add3A_358 = arith.addi %mul3A_174, %add3A_357 : i32
        %get3A_359 = arith.index_cast %add3A_358 : i32 to index
        %get3A_360 = arith.constant 96 : index
        %get3A_361 = tpu.vector_load %arg9[%get3A_359, %get3A_360] {strides = array<i32>} : memref<128x128xf32, #tpu.memory_space<vmem>>, vector<1x16xf32>,
        %get3A_362 = vector.shape_cast %get3A_361 : vector<1x16xf32> to vector<16xf32>
        %swap3A_363 = arith.index_cast %add3A_356 : i32 to index
        %swap3A_364 = arith.constant 96 : index
        %swap3A_365 = tpu.vector_load %arg6[%swap3A_363, %swap3A_364] {strides = array<i32>} : memref<128x128xf32, #tpu.memory_space<vmem>>, vector<1x16xf32>,
        %swap3A_366 = vector.shape_cast %swap3A_365 : vector<1x16xf32> to vector<16xf32>
        %swap3A_367 = vector.shape_cast %get3A_362 : vector<16xf32> to vector<1x16xf32>
        tpu.vector_store %arg6[%swap3A_363, %swap3A_364], %swap3A_367 {add = true, strides = array<i32>} : memref<128x128xf32, #tpu.memory_space<vmem>>, vector<1x16xf32>,
        %add3A_368 = arith.constant 1 : i32
        %add3A_369 = arith.addi %mul3A_174, %add3A_368 : i32
        %add3A_370 = arith.constant 1 : i32
        %add3A_371 = arith.addi %mul3A_174, %add3A_370 : i32
        %get3A_372 = arith.index_cast %add3A_371 : i32 to index
        %get3A_373 = arith.constant 112 : index
        %get3A_374 = tpu.vector_load %arg9[%get3A_372, %get3A_373] {strides = array<i32>} : memref<128x128xf32, #tpu.memory_space<vmem>>, vector<1x16xf32>,
        %get3A_375 = vector.shape_cast %get3A_374 : vector<1x16xf32> to vector<16xf32>
        %swap3A_376 = arith.index_cast %add3A_369 : i32 to index
        %swap3A_377 = arith.constant 112 : index
        %swap3A_378 = tpu.vector_load %arg6[%swap3A_376, %swap3A_377] {strides = array<i32>} : memref<128x128xf32, #tpu.memory_space<vmem>>, vector<1x16xf32>,
        %swap3A_379 = vector.shape_cast %swap3A_378 : vector<1x16xf32> to vector<16xf32>
        %swap3A_380 = vector.shape_cast %get3A_375 : vector<16xf32> to vector<1x16xf32>
        tpu.vector_store %arg6[%swap3A_376, %swap3A_377], %swap3A_380 {add = true, strides = array<i32>} : memref<128x128xf32, #tpu.memory_space<vmem>>, vector<1x16xf32>,
        %scan3A_381 = arith.constant 0 : i32
        scf.yield %scan3A_381 : i32
      }
      %scan3A_117 = arith.constant 64 : i32
      %mul3A_118 = arith.constant 5 : i32
      %mul3A_119 = arith.muli %scan3A_43, %mul3A_118 : i32
      %add3A_120 = arith.constant 3 : i32
      %add3A_121 = arith.addi %mul3A_119, %add3A_120 : i32
      %add3A_122 = arith.constant 5 : i32
      %add3A_123 = arith.addi %add3A_121, %add3A_122 : i32
      %sub3A_124 = arith.constant 1 : i32
      %sub3A_125 = arith.subi %add3A_123, %sub3A_124 : i32
      %lt3A_126 = arith.constant 50 : i32
      %lt3A_127 = arith.cmpi slt, %sub3A_125, %lt3A_126 : i32
      %convert_element_type3A_128 = arith.extui %lt3A_127 : i1 to i32
      %cond3A_129 = arith.constant 0 : i32
      %cond3A_130 = arith.cmpi ne, %convert_element_type3A_128, %cond3A_129 : i32
      scf.if %cond3A_130 {
        %add3A_171 = arith.constant 5 : i32
        %add3A_172 = arith.addi %add3A_121, %add3A_171 : i32
        %sub3A_173 = arith.constant 1 : i32
        %sub3A_174 = arith.subi %add3A_172, %sub3A_173 : i32
        %dma_start3A_175 = arith.constant 0 : i32
        %dma_start3A_176 = tpu.memref_slice %arg5[%sub3A_174, %dma_start3A_175] : memref<50x128xi32, #tpu.memory_space<vmem>> -> memref<1x128xi32, #tpu.memory_space<vmem>>
        %dma_start3A_177 = tpu.memref_squeeze %dma_start3A_176 : memref<1x128xi32, #tpu.memory_space<vmem>> -> memref<128xi32, #tpu.memory_space<vmem>>
        %dma_start3A_178 = arith.constant 0 : i32
        %dma_start3A_179 = arith.constant 0 : i32
        %dma_start3A_180 = tpu.memref_slice %arg3[%dma_start3A_178, %dma_start3A_179] : memref<100000x128xf32, #tpu.memory_space<hbm>> -> memref<100000x128xf32, #tpu.memory_space<hbm>>
        tpu.enqueue_indirect_dma source(%dma_start3A_180 : memref<100000x128xf32, #tpu.memory_space<hbm>>) target(%arg9 : memref<128x128xf32, #tpu.memory_space<vmem>>) offsets(%dma_start3A_177 : memref<128xi32, #tpu.memory_space<vmem>>) semaphore(%arg14 : memref<!tpu.dma_semaphore, #tpu.memory_space<semaphore_mem>>)
      } else {
      }
      %dma_wait3A_131 = arith.constant 0 : i32
      %dma_wait3A_132 = arith.constant 0 : i32
      %dma_wait3A_133 = tpu.memref_slice %arg3[%dma_wait3A_131, %dma_wait3A_132] : memref<100000x128xf32, #tpu.memory_space<hbm>> -> memref<128x128xf32, #tpu.memory_space<hbm>>
      %dma_wait3A_134 = arith.constant 0 : i32
      %dma_wait3A_135 = arith.constant 0 : i32
      %dma_wait3A_136 = tpu.memref_slice %arg3[%dma_wait3A_134, %dma_wait3A_135] : memref<100000x128xf32, #tpu.memory_space<hbm>> -> memref<128x128xf32, #tpu.memory_space<hbm>>
      tpu.wait_dma2 semaphore(%arg15 : memref<!tpu.dma_semaphore, #tpu.memory_space<semaphore_mem>>) src(%dma_wait3A_136 : memref<128x128xf32, #tpu.memory_space<hbm>>) dst(%arg10 : memref<128x128xf32, #tpu.memory_space<vmem>>)
      %scan3A_137 = arith.constant 0 : i32
      %scan3A_138 = arith.constant 0 : i32
      %scan3A_139 = arith.constant 64 : i32
      %scan3A_140 = arith.addi %scan3A_138, %scan3A_139 : i32
      %scan3A_141 = arith.constant 1 : i32
      %scan3A_142 = scf.for %scan3A_171 = %scan3A_138 to %scan3A_140 step %scan3A_141 iter_args(%scan3A_172 = %scan3A_137) -> (i32)  : i32 {
        %mul3A_173 = arith.constant 2 : i32
        %mul3A_174 = arith.muli %mul3A_173, %scan3A_171 : i32
        %add3A_175 = arith.constant 0 : i32
        %add3A_176 = arith.addi %mul3A_174, %add3A_175 : i32
        %add3A_177 = arith.constant 0 : i32
        %add3A_178 = arith.addi %mul3A_174, %add3A_177 : i32
        %get3A = arith.index_cast %add3A_178 : i32 to index
        %get3A_179 = arith.constant 0 : index
        %get3A_180 = tpu.vector_load %arg10[%get3A, %get3A_179] {strides = array<i32>} : memref<128x128xf32, #tpu.memory_space<vmem>>, vector<1x16xf32>,
        %get3A_181 = vector.shape_cast %get3A_180 : vector<1x16xf32> to vector<16xf32>
        %swap3A = arith.index_cast %add3A_176 : i32 to index
        %swap3A_182 = arith.constant 0 : index
        %swap3A_183 = tpu.vector_load %arg6[%swap3A, %swap3A_182] {strides = array<i32>} : memref<128x128xf32, #tpu.memory_space<vmem>>, vector<1x16xf32>,
        %swap3A_184 = vector.shape_cast %swap3A_183 : vector<1x16xf32> to vector<16xf32>
        %swap3A_185 = vector.shape_cast %get3A_181 : vector<16xf32> to vector<1x16xf32>
        tpu.vector_store %arg6[%swap3A, %swap3A_182], %swap3A_185 {add = true, strides = array<i32>} : memref<128x128xf32, #tpu.memory_space<vmem>>, vector<1x16xf32>,
        %add3A_186 = arith.constant 0 : i32
        %add3A_187 = arith.addi %mul3A_174, %add3A_186 : i32
        %add3A_188 = arith.constant 0 : i32
        %add3A_189 = arith.addi %mul3A_174, %add3A_188 : i32
        %get3A_190 = arith.index_cast %add3A_189 : i32 to index
        %get3A_191 = arith.constant 16 : index
        %get3A_192 = tpu.vector_load %arg10[%get3A_190, %get3A_191] {strides = array<i32>} : memref<128x128xf32, #tpu.memory_space<vmem>>, vector<1x16xf32>,
        %get3A_193 = vector.shape_cast %get3A_192 : vector<1x16xf32> to vector<16xf32>
        %swap3A_194 = arith.index_cast %add3A_187 : i32 to index
        %swap3A_195 = arith.constant 16 : index
        %swap3A_196 = tpu.vector_load %arg6[%swap3A_194, %swap3A_195] {strides = array<i32>} : memref<128x128xf32, #tpu.memory_space<vmem>>, vector<1x16xf32>,
        %swap3A_197 = vector.shape_cast %swap3A_196 : vector<1x16xf32> to vector<16xf32>
        %swap3A_198 = vector.shape_cast %get3A_193 : vector<16xf32> to vector<1x16xf32>
        tpu.vector_store %arg6[%swap3A_194, %swap3A_195], %swap3A_198 {add = true, strides = array<i32>} : memref<128x128xf32, #tpu.memory_space<vmem>>, vector<1x16xf32>,
        %add3A_199 = arith.constant 0 : i32
        %add3A_200 = arith.addi %mul3A_174, %add3A_199 : i32
        %add3A_201 = arith.constant 0 : i32
        %add3A_202 = arith.addi %mul3A_174, %add3A_201 : i32
        %get3A_203 = arith.index_cast %add3A_202 : i32 to index
        %get3A_204 = arith.constant 32 : index
        %get3A_205 = tpu.vector_load %arg10[%get3A_203, %get3A_204] {strides = array<i32>} : memref<128x128xf32, #tpu.memory_space<vmem>>, vector<1x16xf32>,
        %get3A_206 = vector.shape_cast %get3A_205 : vector<1x16xf32> to vector<16xf32>
        %swap3A_207 = arith.index_cast %add3A_200 : i32 to index
        %swap3A_208 = arith.constant 32 : index
        %swap3A_209 = tpu.vector_load %arg6[%swap3A_207, %swap3A_208] {strides = array<i32>} : memref<128x128xf32, #tpu.memory_space<vmem>>, vector<1x16xf32>,
        %swap3A_210 = vector.shape_cast %swap3A_209 : vector<1x16xf32> to vector<16xf32>
        %swap3A_211 = vector.shape_cast %get3A_206 : vector<16xf32> to vector<1x16xf32>
        tpu.vector_store %arg6[%swap3A_207, %swap3A_208], %swap3A_211 {add = true, strides = array<i32>} : memref<128x128xf32, #tpu.memory_space<vmem>>, vector<1x16xf32>,
        %add3A_212 = arith.constant 0 : i32
        %add3A_213 = arith.addi %mul3A_174, %add3A_212 : i32
        %add3A_214 = arith.constant 0 : i32
        %add3A_215 = arith.addi %mul3A_174, %add3A_214 : i32
        %get3A_216 = arith.index_cast %add3A_215 : i32 to index
        %get3A_217 = arith.constant 48 : index
        %get3A_218 = tpu.vector_load %arg10[%get3A_216, %get3A_217] {strides = array<i32>} : memref<128x128xf32, #tpu.memory_space<vmem>>, vector<1x16xf32>,
        %get3A_219 = vector.shape_cast %get3A_218 : vector<1x16xf32> to vector<16xf32>
        %swap3A_220 = arith.index_cast %add3A_213 : i32 to index
        %swap3A_221 = arith.constant 48 : index
        %swap3A_222 = tpu.vector_load %arg6[%swap3A_220, %swap3A_221] {strides = array<i32>} : memref<128x128xf32, #tpu.memory_space<vmem>>, vector<1x16xf32>,
        %swap3A_223 = vector.shape_cast %swap3A_222 : vector<1x16xf32> to vector<16xf32>
        %swap3A_224 = vector.shape_cast %get3A_219 : vector<16xf32> to vector<1x16xf32>
        tpu.vector_store %arg6[%swap3A_220, %swap3A_221], %swap3A_224 {add = true, strides = array<i32>} : memref<128x128xf32, #tpu.memory_space<vmem>>, vector<1x16xf32>,
        %add3A_225 = arith.constant 0 : i32
        %add3A_226 = arith.addi %mul3A_174, %add3A_225 : i32
        %add3A_227 = arith.constant 0 : i32
        %add3A_228 = arith.addi %mul3A_174, %add3A_227 : i32
        %get3A_229 = arith.index_cast %add3A_228 : i32 to index
        %get3A_230 = arith.constant 64 : index
        %get3A_231 = tpu.vector_load %arg10[%get3A_229, %get3A_230] {strides = array<i32>} : memref<128x128xf32, #tpu.memory_space<vmem>>, vector<1x16xf32>,
        %get3A_232 = vector.shape_cast %get3A_231 : vector<1x16xf32> to vector<16xf32>
        %swap3A_233 = arith.index_cast %add3A_226 : i32 to index
        %swap3A_234 = arith.constant 64 : index
        %swap3A_235 = tpu.vector_load %arg6[%swap3A_233, %swap3A_234] {strides = array<i32>} : memref<128x128xf32, #tpu.memory_space<vmem>>, vector<1x16xf32>,
        %swap3A_236 = vector.shape_cast %swap3A_235 : vector<1x16xf32> to vector<16xf32>
        %swap3A_237 = vector.shape_cast %get3A_232 : vector<16xf32> to vector<1x16xf32>
        tpu.vector_store %arg6[%swap3A_233, %swap3A_234], %swap3A_237 {add = true, strides = array<i32>} : memref<128x128xf32, #tpu.memory_space<vmem>>, vector<1x16xf32>,
        %add3A_238 = arith.constant 0 : i32
        %add3A_239 = arith.addi %mul3A_174, %add3A_238 : i32
        %add3A_240 = arith.constant 0 : i32
        %add3A_241 = arith.addi %mul3A_174, %add3A_240 : i32
        %get3A_242 = arith.index_cast %add3A_241 : i32 to index
        %get3A_243 = arith.constant 80 : index
        %get3A_244 = tpu.vector_load %arg10[%get3A_242, %get3A_243] {strides = array<i32>} : memref<128x128xf32, #tpu.memory_space<vmem>>, vector<1x16xf32>,
        %get3A_245 = vector.shape_cast %get3A_244 : vector<1x16xf32> to vector<16xf32>
        %swap3A_246 = arith.index_cast %add3A_239 : i32 to index
        %swap3A_247 = arith.constant 80 : index
        %swap3A_248 = tpu.vector_load %arg6[%swap3A_246, %swap3A_247] {strides = array<i32>} : memref<128x128xf32, #tpu.memory_space<vmem>>, vector<1x16xf32>,
        %swap3A_249 = vector.shape_cast %swap3A_248 : vector<1x16xf32> to vector<16xf32>
        %swap3A_250 = vector.shape_cast %get3A_245 : vector<16xf32> to vector<1x16xf32>
        tpu.vector_store %arg6[%swap3A_246, %swap3A_247], %swap3A_250 {add = true, strides = array<i32>} : memref<128x128xf32, #tpu.memory_space<vmem>>, vector<1x16xf32>,
        %add3A_251 = arith.constant 0 : i32
        %add3A_252 = arith.addi %mul3A_174, %add3A_251 : i32
        %add3A_253 = arith.constant 0 : i32
        %add3A_254 = arith.addi %mul3A_174, %add3A_253 : i32
        %get3A_255 = arith.index_cast %add3A_254 : i32 to index
        %get3A_256 = arith.constant 96 : index
        %get3A_257 = tpu.vector_load %arg10[%get3A_255, %get3A_256] {strides = array<i32>} : memref<128x128xf32, #tpu.memory_space<vmem>>, vector<1x16xf32>,
        %get3A_258 = vector.shape_cast %get3A_257 : vector<1x16xf32> to vector<16xf32>
        %swap3A_259 = arith.index_cast %add3A_252 : i32 to index
        %swap3A_260 = arith.constant 96 : index
        %swap3A_261 = tpu.vector_load %arg6[%swap3A_259, %swap3A_260] {strides = array<i32>} : memref<128x128xf32, #tpu.memory_space<vmem>>, vector<1x16xf32>,
        %swap3A_262 = vector.shape_cast %swap3A_261 : vector<1x16xf32> to vector<16xf32>
        %swap3A_263 = vector.shape_cast %get3A_258 : vector<16xf32> to vector<1x16xf32>
        tpu.vector_store %arg6[%swap3A_259, %swap3A_260], %swap3A_263 {add = true, strides = array<i32>} : memref<128x128xf32, #tpu.memory_space<vmem>>, vector<1x16xf32>,
        %add3A_264 = arith.constant 0 : i32
        %add3A_265 = arith.addi %mul3A_174, %add3A_264 : i32
        %add3A_266 = arith.constant 0 : i32
        %add3A_267 = arith.addi %mul3A_174, %add3A_266 : i32
        %get3A_268 = arith.index_cast %add3A_267 : i32 to index
        %get3A_269 = arith.constant 112 : index
        %get3A_270 = tpu.vector_load %arg10[%get3A_268, %get3A_269] {strides = array<i32>} : memref<128x128xf32, #tpu.memory_space<vmem>>, vector<1x16xf32>,
        %get3A_271 = vector.shape_cast %get3A_270 : vector<1x16xf32> to vector<16xf32>
        %swap3A_272 = arith.index_cast %add3A_265 : i32 to index
        %swap3A_273 = arith.constant 112 : index
        %swap3A_274 = tpu.vector_load %arg6[%swap3A_272, %swap3A_273] {strides = array<i32>} : memref<128x128xf32, #tpu.memory_space<vmem>>, vector<1x16xf32>,
        %swap3A_275 = vector.shape_cast %swap3A_274 : vector<1x16xf32> to vector<16xf32>
        %swap3A_276 = vector.shape_cast %get3A_271 : vector<16xf32> to vector<1x16xf32>
        tpu.vector_store %arg6[%swap3A_272, %swap3A_273], %swap3A_276 {add = true, strides = array<i32>} : memref<128x128xf32, #tpu.memory_space<vmem>>, vector<1x16xf32>,
        %add3A_277 = arith.constant 1 : i32
        %add3A_278 = arith.addi %mul3A_174, %add3A_277 : i32
        %add3A_279 = arith.constant 1 : i32
        %add3A_280 = arith.addi %mul3A_174, %add3A_279 : i32
        %get3A_281 = arith.index_cast %add3A_280 : i32 to index
        %get3A_282 = arith.constant 0 : index
        %get3A_283 = tpu.vector_load %arg10[%get3A_281, %get3A_282] {strides = array<i32>} : memref<128x128xf32, #tpu.memory_space<vmem>>, vector<1x16xf32>,
        %get3A_284 = vector.shape_cast %get3A_283 : vector<1x16xf32> to vector<16xf32>
        %swap3A_285 = arith.index_cast %add3A_278 : i32 to index
        %swap3A_286 = arith.constant 0 : index
        %swap3A_287 = tpu.vector_load %arg6[%swap3A_285, %swap3A_286] {strides = array<i32>} : memref<128x128xf32, #tpu.memory_space<vmem>>, vector<1x16xf32>,
        %swap3A_288 = vector.shape_cast %swap3A_287 : vector<1x16xf32> to vector<16xf32>
        %swap3A_289 = vector.shape_cast %get3A_284 : vector<16xf32> to vector<1x16xf32>
        tpu.vector_store %arg6[%swap3A_285, %swap3A_286], %swap3A_289 {add = true, strides = array<i32>} : memref<128x128xf32, #tpu.memory_space<vmem>>, vector<1x16xf32>,
        %add3A_290 = arith.constant 1 : i32
        %add3A_291 = arith.addi %mul3A_174, %add3A_290 : i32
        %add3A_292 = arith.constant 1 : i32
        %add3A_293 = arith.addi %mul3A_174, %add3A_292 : i32
        %get3A_294 = arith.index_cast %add3A_293 : i32 to index
        %get3A_295 = arith.constant 16 : index
        %get3A_296 = tpu.vector_load %arg10[%get3A_294, %get3A_295] {strides = array<i32>} : memref<128x128xf32, #tpu.memory_space<vmem>>, vector<1x16xf32>,
        %get3A_297 = vector.shape_cast %get3A_296 : vector<1x16xf32> to vector<16xf32>
        %swap3A_298 = arith.index_cast %add3A_291 : i32 to index
        %swap3A_299 = arith.constant 16 : index
        %swap3A_300 = tpu.vector_load %arg6[%swap3A_298, %swap3A_299] {strides = array<i32>} : memref<128x128xf32, #tpu.memory_space<vmem>>, vector<1x16xf32>,
        %swap3A_301 = vector.shape_cast %swap3A_300 : vector<1x16xf32> to vector<16xf32>
        %swap3A_302 = vector.shape_cast %get3A_297 : vector<16xf32> to vector<1x16xf32>
        tpu.vector_store %arg6[%swap3A_298, %swap3A_299], %swap3A_302 {add = true, strides = array<i32>} : memref<128x128xf32, #tpu.memory_space<vmem>>, vector<1x16xf32>,
        %add3A_303 = arith.constant 1 : i32
        %add3A_304 = arith.addi %mul3A_174, %add3A_303 : i32
        %add3A_305 = arith.constant 1 : i32
        %add3A_306 = arith.addi %mul3A_174, %add3A_305 : i32
        %get3A_307 = arith.index_cast %add3A_306 : i32 to index
        %get3A_308 = arith.constant 32 : index
        %get3A_309 = tpu.vector_load %arg10[%get3A_307, %get3A_308] {strides = array<i32>} : memref<128x128xf32, #tpu.memory_space<vmem>>, vector<1x16xf32>,
        %get3A_310 = vector.shape_cast %get3A_309 : vector<1x16xf32> to vector<16xf32>
        %swap3A_311 = arith.index_cast %add3A_304 : i32 to index
        %swap3A_312 = arith.constant 32 : index
        %swap3A_313 = tpu.vector_load %arg6[%swap3A_311, %swap3A_312] {strides = array<i32>} : memref<128x128xf32, #tpu.memory_space<vmem>>, vector<1x16xf32>,
        %swap3A_314 = vector.shape_cast %swap3A_313 : vector<1x16xf32> to vector<16xf32>
        %swap3A_315 = vector.shape_cast %get3A_310 : vector<16xf32> to vector<1x16xf32>
        tpu.vector_store %arg6[%swap3A_311, %swap3A_312], %swap3A_315 {add = true, strides = array<i32>} : memref<128x128xf32, #tpu.memory_space<vmem>>, vector<1x16xf32>,
        %add3A_316 = arith.constant 1 : i32
        %add3A_317 = arith.addi %mul3A_174, %add3A_316 : i32
        %add3A_318 = arith.constant 1 : i32
        %add3A_319 = arith.addi %mul3A_174, %add3A_318 : i32
        %get3A_320 = arith.index_cast %add3A_319 : i32 to index
        %get3A_321 = arith.constant 48 : index
        %get3A_322 = tpu.vector_load %arg10[%get3A_320, %get3A_321] {strides = array<i32>} : memref<128x128xf32, #tpu.memory_space<vmem>>, vector<1x16xf32>,
        %get3A_323 = vector.shape_cast %get3A_322 : vector<1x16xf32> to vector<16xf32>
        %swap3A_324 = arith.index_cast %add3A_317 : i32 to index
        %swap3A_325 = arith.constant 48 : index
        %swap3A_326 = tpu.vector_load %arg6[%swap3A_324, %swap3A_325] {strides = array<i32>} : memref<128x128xf32, #tpu.memory_space<vmem>>, vector<1x16xf32>,
        %swap3A_327 = vector.shape_cast %swap3A_326 : vector<1x16xf32> to vector<16xf32>
        %swap3A_328 = vector.shape_cast %get3A_323 : vector<16xf32> to vector<1x16xf32>
        tpu.vector_store %arg6[%swap3A_324, %swap3A_325], %swap3A_328 {add = true, strides = array<i32>} : memref<128x128xf32, #tpu.memory_space<vmem>>, vector<1x16xf32>,
        %add3A_329 = arith.constant 1 : i32
        %add3A_330 = arith.addi %mul3A_174, %add3A_329 : i32
        %add3A_331 = arith.constant 1 : i32
        %add3A_332 = arith.addi %mul3A_174, %add3A_331 : i32
        %get3A_333 = arith.index_cast %add3A_332 : i32 to index
        %get3A_334 = arith.constant 64 : index
        %get3A_335 = tpu.vector_load %arg10[%get3A_333, %get3A_334] {strides = array<i32>} : memref<128x128xf32, #tpu.memory_space<vmem>>, vector<1x16xf32>,
        %get3A_336 = vector.shape_cast %get3A_335 : vector<1x16xf32> to vector<16xf32>
        %swap3A_337 = arith.index_cast %add3A_330 : i32 to index
        %swap3A_338 = arith.constant 64 : index
        %swap3A_339 = tpu.vector_load %arg6[%swap3A_337, %swap3A_338] {strides = array<i32>} : memref<128x128xf32, #tpu.memory_space<vmem>>, vector<1x16xf32>,
        %swap3A_340 = vector.shape_cast %swap3A_339 : vector<1x16xf32> to vector<16xf32>
        %swap3A_341 = vector.shape_cast %get3A_336 : vector<16xf32> to vector<1x16xf32>
        tpu.vector_store %arg6[%swap3A_337, %swap3A_338], %swap3A_341 {add = true, strides = array<i32>} : memref<128x128xf32, #tpu.memory_space<vmem>>, vector<1x16xf32>,
        %add3A_342 = arith.constant 1 : i32
        %add3A_343 = arith.addi %mul3A_174, %add3A_342 : i32
        %add3A_344 = arith.constant 1 : i32
        %add3A_345 = arith.addi %mul3A_174, %add3A_344 : i32
        %get3A_346 = arith.index_cast %add3A_345 : i32 to index
        %get3A_347 = arith.constant 80 : index
        %get3A_348 = tpu.vector_load %arg10[%get3A_346, %get3A_347] {strides = array<i32>} : memref<128x128xf32, #tpu.memory_space<vmem>>, vector<1x16xf32>,
        %get3A_349 = vector.shape_cast %get3A_348 : vector<1x16xf32> to vector<16xf32>
        %swap3A_350 = arith.index_cast %add3A_343 : i32 to index
        %swap3A_351 = arith.constant 80 : index
        %swap3A_352 = tpu.vector_load %arg6[%swap3A_350, %swap3A_351] {strides = array<i32>} : memref<128x128xf32, #tpu.memory_space<vmem>>, vector<1x16xf32>,
        %swap3A_353 = vector.shape_cast %swap3A_352 : vector<1x16xf32> to vector<16xf32>
        %swap3A_354 = vector.shape_cast %get3A_349 : vector<16xf32> to vector<1x16xf32>
        tpu.vector_store %arg6[%swap3A_350, %swap3A_351], %swap3A_354 {add = true, strides = array<i32>} : memref<128x128xf32, #tpu.memory_space<vmem>>, vector<1x16xf32>,
        %add3A_355 = arith.constant 1 : i32
        %add3A_356 = arith.addi %mul3A_174, %add3A_355 : i32
        %add3A_357 = arith.constant 1 : i32
        %add3A_358 = arith.addi %mul3A_174, %add3A_357 : i32
        %get3A_359 = arith.index_cast %add3A_358 : i32 to index
        %get3A_360 = arith.constant 96 : index
        %get3A_361 = tpu.vector_load %arg10[%get3A_359, %get3A_360] {strides = array<i32>} : memref<128x128xf32, #tpu.memory_space<vmem>>, vector<1x16xf32>,
        %get3A_362 = vector.shape_cast %get3A_361 : vector<1x16xf32> to vector<16xf32>
        %swap3A_363 = arith.index_cast %add3A_356 : i32 to index
        %swap3A_364 = arith.constant 96 : index
        %swap3A_365 = tpu.vector_load %arg6[%swap3A_363, %swap3A_364] {strides = array<i32>} : memref<128x128xf32, #tpu.memory_space<vmem>>, vector<1x16xf32>,
        %swap3A_366 = vector.shape_cast %swap3A_365 : vector<1x16xf32> to vector<16xf32>
        %swap3A_367 = vector.shape_cast %get3A_362 : vector<16xf32> to vector<1x16xf32>
        tpu.vector_store %arg6[%swap3A_363, %swap3A_364], %swap3A_367 {add = true, strides = array<i32>} : memref<128x128xf32, #tpu.memory_space<vmem>>, vector<1x16xf32>,
        %add3A_368 = arith.constant 1 : i32
        %add3A_369 = arith.addi %mul3A_174, %add3A_368 : i32
        %add3A_370 = arith.constant 1 : i32
        %add3A_371 = arith.addi %mul3A_174, %add3A_370 : i32
        %get3A_372 = arith.index_cast %add3A_371 : i32 to index
        %get3A_373 = arith.constant 112 : index
        %get3A_374 = tpu.vector_load %arg10[%get3A_372, %get3A_373] {strides = array<i32>} : memref<128x128xf32, #tpu.memory_space<vmem>>, vector<1x16xf32>,
        %get3A_375 = vector.shape_cast %get3A_374 : vector<1x16xf32> to vector<16xf32>
        %swap3A_376 = arith.index_cast %add3A_369 : i32 to index
        %swap3A_377 = arith.constant 112 : index
        %swap3A_378 = tpu.vector_load %arg6[%swap3A_376, %swap3A_377] {strides = array<i32>} : memref<128x128xf32, #tpu.memory_space<vmem>>, vector<1x16xf32>,
        %swap3A_379 = vector.shape_cast %swap3A_378 : vector<1x16xf32> to vector<16xf32>
        %swap3A_380 = vector.shape_cast %get3A_375 : vector<16xf32> to vector<1x16xf32>
        tpu.vector_store %arg6[%swap3A_376, %swap3A_377], %swap3A_380 {add = true, strides = array<i32>} : memref<128x128xf32, #tpu.memory_space<vmem>>, vector<1x16xf32>,
        %scan3A_381 = arith.constant 0 : i32
        scf.yield %scan3A_381 : i32
      }
      %scan3A_143 = arith.constant 64 : i32
      %mul3A_144 = arith.constant 5 : i32
      %mul3A_145 = arith.muli %scan3A_43, %mul3A_144 : i32
      %add3A_146 = arith.constant 4 : i32
      %add3A_147 = arith.addi %mul3A_145, %add3A_146 : i32
      %add3A_148 = arith.constant 5 : i32
      %add3A_149 = arith.addi %add3A_147, %add3A_148 : i32
      %sub3A_150 = arith.constant 1 : i32
      %sub3A_151 = arith.subi %add3A_149, %sub3A_150 : i32
      %lt3A_152 = arith.constant 50 : i32
      %lt3A_153 = arith.cmpi slt, %sub3A_151, %lt3A_152 : i32
      %convert_element_type3A_154 = arith.extui %lt3A_153 : i1 to i32
      %cond3A_155 = arith.constant 0 : i32
      %cond3A_156 = arith.cmpi ne, %convert_element_type3A_154, %cond3A_155 : i32
      scf.if %cond3A_156 {
        %add3A_171 = arith.constant 5 : i32
        %add3A_172 = arith.addi %add3A_147, %add3A_171 : i32
        %sub3A_173 = arith.constant 1 : i32
        %sub3A_174 = arith.subi %add3A_172, %sub3A_173 : i32
        %dma_start3A_175 = arith.constant 0 : i32
        %dma_start3A_176 = tpu.memref_slice %arg5[%sub3A_174, %dma_start3A_175] : memref<50x128xi32, #tpu.memory_space<vmem>> -> memref<1x128xi32, #tpu.memory_space<vmem>>
        %dma_start3A_177 = tpu.memref_squeeze %dma_start3A_176 : memref<1x128xi32, #tpu.memory_space<vmem>> -> memref<128xi32, #tpu.memory_space<vmem>>
        %dma_start3A_178 = arith.constant 0 : i32
        %dma_start3A_179 = arith.constant 0 : i32
        %dma_start3A_180 = tpu.memref_slice %arg3[%dma_start3A_178, %dma_start3A_179] : memref<100000x128xf32, #tpu.memory_space<hbm>> -> memref<100000x128xf32, #tpu.memory_space<hbm>>
        tpu.enqueue_indirect_dma source(%dma_start3A_180 : memref<100000x128xf32, #tpu.memory_space<hbm>>) target(%arg10 : memref<128x128xf32, #tpu.memory_space<vmem>>) offsets(%dma_start3A_177 : memref<128xi32, #tpu.memory_space<vmem>>) semaphore(%arg15 : memref<!tpu.dma_semaphore, #tpu.memory_space<semaphore_mem>>)
      } else {
      }
      %dma_wait3A_157 = arith.constant 0 : i32
      %dma_wait3A_158 = arith.constant 0 : i32
      %dma_wait3A_159 = tpu.memref_slice %arg3[%dma_wait3A_157, %dma_wait3A_158] : memref<100000x128xf32, #tpu.memory_space<hbm>> -> memref<128x128xf32, #tpu.memory_space<hbm>>
      %dma_wait3A_160 = arith.constant 0 : i32
      %dma_wait3A_161 = arith.constant 0 : i32
      %dma_wait3A_162 = tpu.memref_slice %arg3[%dma_wait3A_160, %dma_wait3A_161] : memref<100000x128xf32, #tpu.memory_space<hbm>> -> memref<128x128xf32, #tpu.memory_space<hbm>>
      tpu.wait_dma2 semaphore(%arg16 : memref<!tpu.dma_semaphore, #tpu.memory_space<semaphore_mem>>) src(%dma_wait3A_162 : memref<128x128xf32, #tpu.memory_space<hbm>>) dst(%arg11 : memref<128x128xf32, #tpu.memory_space<vmem>>)
      %scan3A_163 = arith.constant 0 : i32
      %scan3A_164 = arith.constant 0 : i32
      %scan3A_165 = arith.constant 64 : i32
      %scan3A_166 = arith.addi %scan3A_164, %scan3A_165 : i32
      %scan3A_167 = arith.constant 1 : i32
      %scan3A_168 = scf.for %scan3A_171 = %scan3A_164 to %scan3A_166 step %scan3A_167 iter_args(%scan3A_172 = %scan3A_163) -> (i32)  : i32 {
        %mul3A_173 = arith.constant 2 : i32
        %mul3A_174 = arith.muli %mul3A_173, %scan3A_171 : i32
        %add3A_175 = arith.constant 0 : i32
        %add3A_176 = arith.addi %mul3A_174, %add3A_175 : i32
        %add3A_177 = arith.constant 0 : i32
        %add3A_178 = arith.addi %mul3A_174, %add3A_177 : i32
        %get3A = arith.index_cast %add3A_178 : i32 to index
        %get3A_179 = arith.constant 0 : index
        %get3A_180 = tpu.vector_load %arg11[%get3A, %get3A_179] {strides = array<i32>} : memref<128x128xf32, #tpu.memory_space<vmem>>, vector<1x16xf32>,
        %get3A_181 = vector.shape_cast %get3A_180 : vector<1x16xf32> to vector<16xf32>
        %swap3A = arith.index_cast %add3A_176 : i32 to index
        %swap3A_182 = arith.constant 0 : index
        %swap3A_183 = tpu.vector_load %arg6[%swap3A, %swap3A_182] {strides = array<i32>} : memref<128x128xf32, #tpu.memory_space<vmem>>, vector<1x16xf32>,
        %swap3A_184 = vector.shape_cast %swap3A_183 : vector<1x16xf32> to vector<16xf32>
        %swap3A_185 = vector.shape_cast %get3A_181 : vector<16xf32> to vector<1x16xf32>
        tpu.vector_store %arg6[%swap3A, %swap3A_182], %swap3A_185 {add = true, strides = array<i32>} : memref<128x128xf32, #tpu.memory_space<vmem>>, vector<1x16xf32>,
        %add3A_186 = arith.constant 0 : i32
        %add3A_187 = arith.addi %mul3A_174, %add3A_186 : i32
        %add3A_188 = arith.constant 0 : i32
        %add3A_189 = arith.addi %mul3A_174, %add3A_188 : i32
        %get3A_190 = arith.index_cast %add3A_189 : i32 to index
        %get3A_191 = arith.constant 16 : index
        %get3A_192 = tpu.vector_load %arg11[%get3A_190, %get3A_191] {strides = array<i32>} : memref<128x128xf32, #tpu.memory_space<vmem>>, vector<1x16xf32>,
        %get3A_193 = vector.shape_cast %get3A_192 : vector<1x16xf32> to vector<16xf32>
        %swap3A_194 = arith.index_cast %add3A_187 : i32 to index
        %swap3A_195 = arith.constant 16 : index
        %swap3A_196 = tpu.vector_load %arg6[%swap3A_194, %swap3A_195] {strides = array<i32>} : memref<128x128xf32, #tpu.memory_space<vmem>>, vector<1x16xf32>,
        %swap3A_197 = vector.shape_cast %swap3A_196 : vector<1x16xf32> to vector<16xf32>
        %swap3A_198 = vector.shape_cast %get3A_193 : vector<16xf32> to vector<1x16xf32>
        tpu.vector_store %arg6[%swap3A_194, %swap3A_195], %swap3A_198 {add = true, strides = array<i32>} : memref<128x128xf32, #tpu.memory_space<vmem>>, vector<1x16xf32>,
        %add3A_199 = arith.constant 0 : i32
        %add3A_200 = arith.addi %mul3A_174, %add3A_199 : i32
        %add3A_201 = arith.constant 0 : i32
        %add3A_202 = arith.addi %mul3A_174, %add3A_201 : i32
        %get3A_203 = arith.index_cast %add3A_202 : i32 to index
        %get3A_204 = arith.constant 32 : index
        %get3A_205 = tpu.vector_load %arg11[%get3A_203, %get3A_204] {strides = array<i32>} : memref<128x128xf32, #tpu.memory_space<vmem>>, vector<1x16xf32>,
        %get3A_206 = vector.shape_cast %get3A_205 : vector<1x16xf32> to vector<16xf32>
        %swap3A_207 = arith.index_cast %add3A_200 : i32 to index
        %swap3A_208 = arith.constant 32 : index
        %swap3A_209 = tpu.vector_load %arg6[%swap3A_207, %swap3A_208] {strides = array<i32>} : memref<128x128xf32, #tpu.memory_space<vmem>>, vector<1x16xf32>,
        %swap3A_210 = vector.shape_cast %swap3A_209 : vector<1x16xf32> to vector<16xf32>
        %swap3A_211 = vector.shape_cast %get3A_206 : vector<16xf32> to vector<1x16xf32>
        tpu.vector_store %arg6[%swap3A_207, %swap3A_208], %swap3A_211 {add = true, strides = array<i32>} : memref<128x128xf32, #tpu.memory_space<vmem>>, vector<1x16xf32>,
        %add3A_212 = arith.constant 0 : i32
        %add3A_213 = arith.addi %mul3A_174, %add3A_212 : i32
        %add3A_214 = arith.constant 0 : i32
        %add3A_215 = arith.addi %mul3A_174, %add3A_214 : i32
        %get3A_216 = arith.index_cast %add3A_215 : i32 to index
        %get3A_217 = arith.constant 48 : index
        %get3A_218 = tpu.vector_load %arg11[%get3A_216, %get3A_217] {strides = array<i32>} : memref<128x128xf32, #tpu.memory_space<vmem>>, vector<1x16xf32>,
        %get3A_219 = vector.shape_cast %get3A_218 : vector<1x16xf32> to vector<16xf32>
        %swap3A_220 = arith.index_cast %add3A_213 : i32 to index
        %swap3A_221 = arith.constant 48 : index
        %swap3A_222 = tpu.vector_load %arg6[%swap3A_220, %swap3A_221] {strides = array<i32>} : memref<128x128xf32, #tpu.memory_space<vmem>>, vector<1x16xf32>,
        %swap3A_223 = vector.shape_cast %swap3A_222 : vector<1x16xf32> to vector<16xf32>
        %swap3A_224 = vector.shape_cast %get3A_219 : vector<16xf32> to vector<1x16xf32>
        tpu.vector_store %arg6[%swap3A_220, %swap3A_221], %swap3A_224 {add = true, strides = array<i32>} : memref<128x128xf32, #tpu.memory_space<vmem>>, vector<1x16xf32>,
        %add3A_225 = arith.constant 0 : i32
        %add3A_226 = arith.addi %mul3A_174, %add3A_225 : i32
        %add3A_227 = arith.constant 0 : i32
        %add3A_228 = arith.addi %mul3A_174, %add3A_227 : i32
        %get3A_229 = arith.index_cast %add3A_228 : i32 to index
        %get3A_230 = arith.constant 64 : index
        %get3A_231 = tpu.vector_load %arg11[%get3A_229, %get3A_230] {strides = array<i32>} : memref<128x128xf32, #tpu.memory_space<vmem>>, vector<1x16xf32>,
        %get3A_232 = vector.shape_cast %get3A_231 : vector<1x16xf32> to vector<16xf32>
        %swap3A_233 = arith.index_cast %add3A_226 : i32 to index
        %swap3A_234 = arith.constant 64 : index
        %swap3A_235 = tpu.vector_load %arg6[%swap3A_233, %swap3A_234] {strides = array<i32>} : memref<128x128xf32, #tpu.memory_space<vmem>>, vector<1x16xf32>,
        %swap3A_236 = vector.shape_cast %swap3A_235 : vector<1x16xf32> to vector<16xf32>
        %swap3A_237 = vector.shape_cast %get3A_232 : vector<16xf32> to vector<1x16xf32>
        tpu.vector_store %arg6[%swap3A_233, %swap3A_234], %swap3A_237 {add = true, strides = array<i32>} : memref<128x128xf32, #tpu.memory_space<vmem>>, vector<1x16xf32>,
        %add3A_238 = arith.constant 0 : i32
        %add3A_239 = arith.addi %mul3A_174, %add3A_238 : i32
        %add3A_240 = arith.constant 0 : i32
        %add3A_241 = arith.addi %mul3A_174, %add3A_240 : i32
        %get3A_242 = arith.index_cast %add3A_241 : i32 to index
        %get3A_243 = arith.constant 80 : index
        %get3A_244 = tpu.vector_load %arg11[%get3A_242, %get3A_243] {strides = array<i32>} : memref<128x128xf32, #tpu.memory_space<vmem>>, vector<1x16xf32>,
        %get3A_245 = vector.shape_cast %get3A_244 : vector<1x16xf32> to vector<16xf32>
        %swap3A_246 = arith.index_cast %add3A_239 : i32 to index
        %swap3A_247 = arith.constant 80 : index
        %swap3A_248 = tpu.vector_load %arg6[%swap3A_246, %swap3A_247] {strides = array<i32>} : memref<128x128xf32, #tpu.memory_space<vmem>>, vector<1x16xf32>,
        %swap3A_249 = vector.shape_cast %swap3A_248 : vector<1x16xf32> to vector<16xf32>
        %swap3A_250 = vector.shape_cast %get3A_245 : vector<16xf32> to vector<1x16xf32>
        tpu.vector_store %arg6[%swap3A_246, %swap3A_247], %swap3A_250 {add = true, strides = array<i32>} : memref<128x128xf32, #tpu.memory_space<vmem>>, vector<1x16xf32>,
        %add3A_251 = arith.constant 0 : i32
        %add3A_252 = arith.addi %mul3A_174, %add3A_251 : i32
        %add3A_253 = arith.constant 0 : i32
        %add3A_254 = arith.addi %mul3A_174, %add3A_253 : i32
        %get3A_255 = arith.index_cast %add3A_254 : i32 to index
        %get3A_256 = arith.constant 96 : index
        %get3A_257 = tpu.vector_load %arg11[%get3A_255, %get3A_256] {strides = array<i32>} : memref<128x128xf32, #tpu.memory_space<vmem>>, vector<1x16xf32>,
        %get3A_258 = vector.shape_cast %get3A_257 : vector<1x16xf32> to vector<16xf32>
        %swap3A_259 = arith.index_cast %add3A_252 : i32 to index
        %swap3A_260 = arith.constant 96 : index
        %swap3A_261 = tpu.vector_load %arg6[%swap3A_259, %swap3A_260] {strides = array<i32>} : memref<128x128xf32, #tpu.memory_space<vmem>>, vector<1x16xf32>,
        %swap3A_262 = vector.shape_cast %swap3A_261 : vector<1x16xf32> to vector<16xf32>
        %swap3A_263 = vector.shape_cast %get3A_258 : vector<16xf32> to vector<1x16xf32>
        tpu.vector_store %arg6[%swap3A_259, %swap3A_260], %swap3A_263 {add = true, strides = array<i32>} : memref<128x128xf32, #tpu.memory_space<vmem>>, vector<1x16xf32>,
        %add3A_264 = arith.constant 0 : i32
        %add3A_265 = arith.addi %mul3A_174, %add3A_264 : i32
        %add3A_266 = arith.constant 0 : i32
        %add3A_267 = arith.addi %mul3A_174, %add3A_266 : i32
        %get3A_268 = arith.index_cast %add3A_267 : i32 to index
        %get3A_269 = arith.constant 112 : index
        %get3A_270 = tpu.vector_load %arg11[%get3A_268, %get3A_269] {strides = array<i32>} : memref<128x128xf32, #tpu.memory_space<vmem>>, vector<1x16xf32>,
        %get3A_271 = vector.shape_cast %get3A_270 : vector<1x16xf32> to vector<16xf32>
        %swap3A_272 = arith.index_cast %add3A_265 : i32 to index
        %swap3A_273 = arith.constant 112 : index
        %swap3A_274 = tpu.vector_load %arg6[%swap3A_272, %swap3A_273] {strides = array<i32>} : memref<128x128xf32, #tpu.memory_space<vmem>>, vector<1x16xf32>,
        %swap3A_275 = vector.shape_cast %swap3A_274 : vector<1x16xf32> to vector<16xf32>
        %swap3A_276 = vector.shape_cast %get3A_271 : vector<16xf32> to vector<1x16xf32>
        tpu.vector_store %arg6[%swap3A_272, %swap3A_273], %swap3A_276 {add = true, strides = array<i32>} : memref<128x128xf32, #tpu.memory_space<vmem>>, vector<1x16xf32>,
        %add3A_277 = arith.constant 1 : i32
        %add3A_278 = arith.addi %mul3A_174, %add3A_277 : i32
        %add3A_279 = arith.constant 1 : i32
        %add3A_280 = arith.addi %mul3A_174, %add3A_279 : i32
        %get3A_281 = arith.index_cast %add3A_280 : i32 to index
        %get3A_282 = arith.constant 0 : index
        %get3A_283 = tpu.vector_load %arg11[%get3A_281, %get3A_282] {strides = array<i32>} : memref<128x128xf32, #tpu.memory_space<vmem>>, vector<1x16xf32>,
        %get3A_284 = vector.shape_cast %get3A_283 : vector<1x16xf32> to vector<16xf32>
        %swap3A_285 = arith.index_cast %add3A_278 : i32 to index
        %swap3A_286 = arith.constant 0 : index
        %swap3A_287 = tpu.vector_load %arg6[%swap3A_285, %swap3A_286] {strides = array<i32>} : memref<128x128xf32, #tpu.memory_space<vmem>>, vector<1x16xf32>,
        %swap3A_288 = vector.shape_cast %swap3A_287 : vector<1x16xf32> to vector<16xf32>
        %swap3A_289 = vector.shape_cast %get3A_284 : vector<16xf32> to vector<1x16xf32>
        tpu.vector_store %arg6[%swap3A_285, %swap3A_286], %swap3A_289 {add = true, strides = array<i32>} : memref<128x128xf32, #tpu.memory_space<vmem>>, vector<1x16xf32>,
        %add3A_290 = arith.constant 1 : i32
        %add3A_291 = arith.addi %mul3A_174, %add3A_290 : i32
        %add3A_292 = arith.constant 1 : i32
        %add3A_293 = arith.addi %mul3A_174, %add3A_292 : i32
        %get3A_294 = arith.index_cast %add3A_293 : i32 to index
        %get3A_295 = arith.constant 16 : index
        %get3A_296 = tpu.vector_load %arg11[%get3A_294, %get3A_295] {strides = array<i32>} : memref<128x128xf32, #tpu.memory_space<vmem>>, vector<1x16xf32>,
        %get3A_297 = vector.shape_cast %get3A_296 : vector<1x16xf32> to vector<16xf32>
        %swap3A_298 = arith.index_cast %add3A_291 : i32 to index
        %swap3A_299 = arith.constant 16 : index
        %swap3A_300 = tpu.vector_load %arg6[%swap3A_298, %swap3A_299] {strides = array<i32>} : memref<128x128xf32, #tpu.memory_space<vmem>>, vector<1x16xf32>,
        %swap3A_301 = vector.shape_cast %swap3A_300 : vector<1x16xf32> to vector<16xf32>
        %swap3A_302 = vector.shape_cast %get3A_297 : vector<16xf32> to vector<1x16xf32>
        tpu.vector_store %arg6[%swap3A_298, %swap3A_299], %swap3A_302 {add = true, strides = array<i32>} : memref<128x128xf32, #tpu.memory_space<vmem>>, vector<1x16xf32>,
        %add3A_303 = arith.constant 1 : i32
        %add3A_304 = arith.addi %mul3A_174, %add3A_303 : i32
        %add3A_305 = arith.constant 1 : i32
        %add3A_306 = arith.addi %mul3A_174, %add3A_305 : i32
        %get3A_307 = arith.index_cast %add3A_306 : i32 to index
        %get3A_308 = arith.constant 32 : index
        %get3A_309 = tpu.vector_load %arg11[%get3A_307, %get3A_308] {strides = array<i32>} : memref<128x128xf32, #tpu.memory_space<vmem>>, vector<1x16xf32>,
        %get3A_310 = vector.shape_cast %get3A_309 : vector<1x16xf32> to vector<16xf32>
        %swap3A_311 = arith.index_cast %add3A_304 : i32 to index
        %swap3A_312 = arith.constant 32 : index
        %swap3A_313 = tpu.vector_load %arg6[%swap3A_311, %swap3A_312] {strides = array<i32>} : memref<128x128xf32, #tpu.memory_space<vmem>>, vector<1x16xf32>,
        %swap3A_314 = vector.shape_cast %swap3A_313 : vector<1x16xf32> to vector<16xf32>
        %swap3A_315 = vector.shape_cast %get3A_310 : vector<16xf32> to vector<1x16xf32>
        tpu.vector_store %arg6[%swap3A_311, %swap3A_312], %swap3A_315 {add = true, strides = array<i32>} : memref<128x128xf32, #tpu.memory_space<vmem>>, vector<1x16xf32>,
        %add3A_316 = arith.constant 1 : i32
        %add3A_317 = arith.addi %mul3A_174, %add3A_316 : i32
        %add3A_318 = arith.constant 1 : i32
        %add3A_319 = arith.addi %mul3A_174, %add3A_318 : i32
        %get3A_320 = arith.index_cast %add3A_319 : i32 to index
        %get3A_321 = arith.constant 48 : index
        %get3A_322 = tpu.vector_load %arg11[%get3A_320, %get3A_321] {strides = array<i32>} : memref<128x128xf32, #tpu.memory_space<vmem>>, vector<1x16xf32>,
        %get3A_323 = vector.shape_cast %get3A_322 : vector<1x16xf32> to vector<16xf32>
        %swap3A_324 = arith.index_cast %add3A_317 : i32 to index
        %swap3A_325 = arith.constant 48 : index
        %swap3A_326 = tpu.vector_load %arg6[%swap3A_324, %swap3A_325] {strides = array<i32>} : memref<128x128xf32, #tpu.memory_space<vmem>>, vector<1x16xf32>,
        %swap3A_327 = vector.shape_cast %swap3A_326 : vector<1x16xf32> to vector<16xf32>
        %swap3A_328 = vector.shape_cast %get3A_323 : vector<16xf32> to vector<1x16xf32>
        tpu.vector_store %arg6[%swap3A_324, %swap3A_325], %swap3A_328 {add = true, strides = array<i32>} : memref<128x128xf32, #tpu.memory_space<vmem>>, vector<1x16xf32>,
        %add3A_329 = arith.constant 1 : i32
        %add3A_330 = arith.addi %mul3A_174, %add3A_329 : i32
        %add3A_331 = arith.constant 1 : i32
        %add3A_332 = arith.addi %mul3A_174, %add3A_331 : i32
        %get3A_333 = arith.index_cast %add3A_332 : i32 to index
        %get3A_334 = arith.constant 64 : index
        %get3A_335 = tpu.vector_load %arg11[%get3A_333, %get3A_334] {strides = array<i32>} : memref<128x128xf32, #tpu.memory_space<vmem>>, vector<1x16xf32>,
        %get3A_336 = vector.shape_cast %get3A_335 : vector<1x16xf32> to vector<16xf32>
        %swap3A_337 = arith.index_cast %add3A_330 : i32 to index
        %swap3A_338 = arith.constant 64 : index
        %swap3A_339 = tpu.vector_load %arg6[%swap3A_337, %swap3A_338] {strides = array<i32>} : memref<128x128xf32, #tpu.memory_space<vmem>>, vector<1x16xf32>,
        %swap3A_340 = vector.shape_cast %swap3A_339 : vector<1x16xf32> to vector<16xf32>
        %swap3A_341 = vector.shape_cast %get3A_336 : vector<16xf32> to vector<1x16xf32>
        tpu.vector_store %arg6[%swap3A_337, %swap3A_338], %swap3A_341 {add = true, strides = array<i32>} : memref<128x128xf32, #tpu.memory_space<vmem>>, vector<1x16xf32>,
        %add3A_342 = arith.constant 1 : i32
        %add3A_343 = arith.addi %mul3A_174, %add3A_342 : i32
        %add3A_344 = arith.constant 1 : i32
        %add3A_345 = arith.addi %mul3A_174, %add3A_344 : i32
        %get3A_346 = arith.index_cast %add3A_345 : i32 to index
        %get3A_347 = arith.constant 80 : index
        %get3A_348 = tpu.vector_load %arg11[%get3A_346, %get3A_347] {strides = array<i32>} : memref<128x128xf32, #tpu.memory_space<vmem>>, vector<1x16xf32>,
        %get3A_349 = vector.shape_cast %get3A_348 : vector<1x16xf32> to vector<16xf32>
        %swap3A_350 = arith.index_cast %add3A_343 : i32 to index
        %swap3A_351 = arith.constant 80 : index
        %swap3A_352 = tpu.vector_load %arg6[%swap3A_350, %swap3A_351] {strides = array<i32>} : memref<128x128xf32, #tpu.memory_space<vmem>>, vector<1x16xf32>,
        %swap3A_353 = vector.shape_cast %swap3A_352 : vector<1x16xf32> to vector<16xf32>
        %swap3A_354 = vector.shape_cast %get3A_349 : vector<16xf32> to vector<1x16xf32>
        tpu.vector_store %arg6[%swap3A_350, %swap3A_351], %swap3A_354 {add = true, strides = array<i32>} : memref<128x128xf32, #tpu.memory_space<vmem>>, vector<1x16xf32>,
        %add3A_355 = arith.constant 1 : i32
        %add3A_356 = arith.addi %mul3A_174, %add3A_355 : i32
        %add3A_357 = arith.constant 1 : i32
        %add3A_358 = arith.addi %mul3A_174, %add3A_357 : i32
        %get3A_359 = arith.index_cast %add3A_358 : i32 to index
        %get3A_360 = arith.constant 96 : index
        %get3A_361 = tpu.vector_load %arg11[%get3A_359, %get3A_360] {strides = array<i32>} : memref<128x128xf32, #tpu.memory_space<vmem>>, vector<1x16xf32>,
        %get3A_362 = vector.shape_cast %get3A_361 : vector<1x16xf32> to vector<16xf32>
        %swap3A_363 = arith.index_cast %add3A_356 : i32 to index
        %swap3A_364 = arith.constant 96 : index
        %swap3A_365 = tpu.vector_load %arg6[%swap3A_363, %swap3A_364] {strides = array<i32>} : memref<128x128xf32, #tpu.memory_space<vmem>>, vector<1x16xf32>,
        %swap3A_366 = vector.shape_cast %swap3A_365 : vector<1x16xf32> to vector<16xf32>
        %swap3A_367 = vector.shape_cast %get3A_362 : vector<16xf32> to vector<1x16xf32>
        tpu.vector_store %arg6[%swap3A_363, %swap3A_364], %swap3A_367 {add = true, strides = array<i32>} : memref<128x128xf32, #tpu.memory_space<vmem>>, vector<1x16xf32>,
        %add3A_368 = arith.constant 1 : i32
        %add3A_369 = arith.addi %mul3A_174, %add3A_368 : i32
        %add3A_370 = arith.constant 1 : i32
        %add3A_371 = arith.addi %mul3A_174, %add3A_370 : i32
        %get3A_372 = arith.index_cast %add3A_371 : i32 to index
        %get3A_373 = arith.constant 112 : index
        %get3A_374 = tpu.vector_load %arg11[%get3A_372, %get3A_373] {strides = array<i32>} : memref<128x128xf32, #tpu.memory_space<vmem>>, vector<1x16xf32>,
        %get3A_375 = vector.shape_cast %get3A_374 : vector<1x16xf32> to vector<16xf32>
        %swap3A_376 = arith.index_cast %add3A_369 : i32 to index
        %swap3A_377 = arith.constant 112 : index
        %swap3A_378 = tpu.vector_load %arg6[%swap3A_376, %swap3A_377] {strides = array<i32>} : memref<128x128xf32, #tpu.memory_space<vmem>>, vector<1x16xf32>,
        %swap3A_379 = vector.shape_cast %swap3A_378 : vector<1x16xf32> to vector<16xf32>
        %swap3A_380 = vector.shape_cast %get3A_375 : vector<16xf32> to vector<1x16xf32>
        tpu.vector_store %arg6[%swap3A_376, %swap3A_377], %swap3A_380 {add = true, strides = array<i32>} : memref<128x128xf32, #tpu.memory_space<vmem>>, vector<1x16xf32>,
        %scan3A_381 = arith.constant 0 : i32
        scf.yield %scan3A_381 : i32
      }
      %scan3A_169 = arith.constant 64 : i32
      %scan3A_170 = arith.constant 0 : i32
      scf.yield %scan3A_170 : i32
    }
    %scan3A_42 = arith.constant 10 : i32
    "tpu.region"() ({
      %run_scoped3A = tpu.sem_alloc : memref<!tpu.dma_semaphore, #tpu.memory_space<semaphore_mem>>
      %dma_start3A_43 = arith.constant 0 : i32
      %dma_start3A_44 = tpu.memref_slice %arg4[%mul3A_2, %dma_start3A_43] : memref<4096x128xf32, #tpu.memory_space<hbm>> -> memref<128x128xf32, #tpu.memory_space<hbm>>
      %dma_start3A_45 = arith.constant 0 : i32
      %dma_start3A_46 = tpu.memref_slice %arg4[%mul3A_2, %dma_start3A_45] : memref<4096x128xf32, #tpu.memory_space<hbm>> -> memref<128x128xf32, #tpu.memory_space<hbm>>
      tpu.enqueue_dma source(%arg6 : memref<128x128xf32, #tpu.memory_space<vmem>>) target(%dma_start3A_46 : memref<128x128xf32, #tpu.memory_space<hbm>>) target_semaphore(%run_scoped3A : memref<!tpu.dma_semaphore, #tpu.memory_space<semaphore_mem>>)
      %dma_wait3A = arith.constant 0 : i32
      %dma_wait3A_47 = tpu.memref_slice %arg4[%mul3A_2, %dma_wait3A] : memref<4096x128xf32, #tpu.memory_space<hbm>> -> memref<128x128xf32, #tpu.memory_space<hbm>>
      %dma_wait3A_48 = arith.constant 0 : i32
      %dma_wait3A_49 = tpu.memref_slice %arg4[%mul3A_2, %dma_wait3A_48] : memref<4096x128xf32, #tpu.memory_space<hbm>> -> memref<128x128xf32, #tpu.memory_space<hbm>>
      tpu.wait_dma2 semaphore(%run_scoped3A : memref<!tpu.dma_semaphore, #tpu.memory_space<semaphore_mem>>) src(%arg6 : memref<128x128xf32, #tpu.memory_space<vmem>>) dst(%dma_wait3A_49 : memref<128x128xf32, #tpu.memory_space<hbm>>)
      tpu.yield
    }) : () -> ()
    return
  }
}

module attributes {stable_mosaic.version = 14 : i64} {
  func.func @_tc_proj_body(%arg0: i32, %arg1: memref<2048x128xf32, #tpu.memory_space<vmem>>, %arg2: memref<128x128xf32, #tpu.memory_space<vmem>>, %arg3: memref<1x128xf32, #tpu.memory_space<vmem>>, %arg4: memref<2048x128xf32, #tpu.memory_space<vmem>>) attributes {dimension_semantics = [#tpu.dimension_semantics<arbitrary>], iteration_bounds = array<i64: 2>, scalar_prefetch = 0 : i64, scratch_operands = 0 : i64, tpu.core_type = #tpu.core_type<tc>, window_params = [{transform_indices = @transform_0, window_bounds = array<i64: 2048, 128>}, {pipeline_mode = #tpu.pipeline_mode<synchronous>, transform_indices = @transform_1, window_bounds = array<i64: 128, 128>}, {pipeline_mode = #tpu.pipeline_mode<synchronous>, transform_indices = @transform_2, window_bounds = array<i64: 1, 128>}, {transform_indices = @transform_3, window_bounds = array<i64: 2048, 128>}]} {
    %get3A = arith.constant 0 : index
    %get3A_0 = arith.constant 0 : index
    %get3A_1 = vector.load %arg1[%get3A, %get3A_0] : memref<2048x128xf32, #tpu.memory_space<vmem>>, vector<2048x128xf32>
    %gt3A = arith.constant 0.000000e+00 : f32
    %gt3A_2 = vector.broadcast %gt3A : f32 to vector<2048x128xf32>
    %gt3A_3 = arith.cmpf ogt, %get3A_1, %gt3A_2 : vector<2048x128xf32>
    %exp3A = math.exp %get3A_1 : vector<2048x128xf32>
    %sub3A = arith.constant 1.000000e+00 : f32
    %sub3A_4 = vector.broadcast %sub3A : f32 to vector<2048x128xf32>
    %sub3A_5 = arith.subf %exp3A, %sub3A_4 : vector<2048x128xf32>
    %mul3A = arith.constant 1.67326319 : f32
    %mul3A_6 = vector.broadcast %mul3A : f32 to vector<2048x128xf32>
    %mul3A_7 = arith.mulf %mul3A_6, %sub3A_5 : vector<2048x128xf32>
    %select_n3A = arith.select %gt3A_3, %get3A_1, %mul3A_7 : vector<2048x128xi1>, vector<2048x128xf32>
    %mul3A_8 = arith.constant 1.05070102 : f32
    %mul3A_9 = vector.broadcast %mul3A_8 : f32 to vector<2048x128xf32>
    %mul3A_10 = arith.mulf %select_n3A, %mul3A_9 : vector<2048x128xf32>
    %get3A_11 = arith.constant 0 : index
    %get3A_12 = arith.constant 0 : index
    %get3A_13 = vector.load %arg2[%get3A_11, %get3A_12] : memref<128x128xf32, #tpu.memory_space<vmem>>, vector<128x128xf32>
    %dot_general3A = arith.constant dense<0.000000e+00> : vector<2048x128xf32>
    %dot_general3A_14 = tpu.matmul %mul3A_10, %get3A_13, %dot_general3A {dimension_numbers = #tpu.dot_dimension_numbers<[1], [1], [0], [0], [0, 0, 1, 0], [], []>, transpose_lhs_hint = false} : vector<2048x128xf32>, vector<128x128xf32>, vector<2048x128xf32> -> vector<2048x128xf32>
    %get3A_15 = arith.constant 0 : index
    %get3A_16 = arith.constant 0 : index
    %get3A_17 = vector.load %arg3[%get3A_15, %get3A_16] : memref<1x128xf32, #tpu.memory_space<vmem>>, vector<1x128xf32>
    %add3A = vector.broadcast %get3A_17 : vector<1x128xf32> to vector<2048x128xf32>
    %add3A_18 = arith.addf %dot_general3A_14, %add3A : vector<2048x128xf32>
    %swap3A = arith.constant 0 : index
    %swap3A_19 = arith.constant 0 : index
    %swap3A_20 = vector.load %arg4[%swap3A, %swap3A_19] : memref<2048x128xf32, #tpu.memory_space<vmem>>, vector<2048x128xf32>
    tpu.vector_store %arg4[%swap3A, %swap3A_19], %add3A_18 {strides = array<i32>} : memref<2048x128xf32, #tpu.memory_space<vmem>>, vector<2048x128xf32>,
    return
  }
  func.func @transform_0(%arg0: i32) -> (i32, i32) {
    %c0_i32 = arith.constant 0 : i32
    %c0_i32_0 = arith.constant 0 : i32
    return %arg0, %c0_i32 : i32, i32
  }
  func.func @transform_1(%arg0: i32) -> (i32, i32) {
    %c0_i32 = arith.constant 0 : i32
    %c0_i32_0 = arith.constant 0 : i32
    %c0_i32_1 = arith.constant 0 : i32
    return %c0_i32, %c0_i32_0 : i32, i32
  }
  func.func @transform_2(%arg0: i32) -> (i32, i32) {
    %c0_i32 = arith.constant 0 : i32
    %c0_i32_0 = arith.constant 0 : i32
    %c0_i32_1 = arith.constant 0 : i32
    return %c0_i32, %c0_i32_0 : i32, i32
  }
  func.func @transform_3(%arg0: i32) -> (i32, i32) {
    %c0_i32 = arith.constant 0 : i32
    %c0_i32_0 = arith.constant 0 : i32
    return %arg0, %c0_i32 : i32, i32
  }
}

</mosaic_0001>

<sc_bundles>
// kernel: kernel.4.cloned.1.call-start
scs
__scs_entry_jumppad:
0x0: {  	(pc) =	sbr.rel $0x88, $3  }
0x1: {  	(tag) =	ssettag $0x0;
	lr =	simm.s32 $0x1  }
0x2: {  	[smem:$0x3F9D] =	sst lr;
	_ =	strace $0xD0000000  }
0x3: {  	_ = 	snop  }
0x4: {  	_ = 	snop  }
0x5: {  	_ = 	snop  }
0x6: {  	_ = 	snop  }
0x7: {  	_ = 	snop  }
__scs_overlays_trampoline_lowered:
0x8: {  	[smem:$0x3FAC] =	sst s0  }
0x9: {  	[smem:$0x3FAD] =	sst s1  }
0xa: {  	[smem:$0x3FAE] =	sst s2  }
0xb: {  	[smem:$0x3FAF] =	sst s3  }
0xc: {  	[smem:$0x3FB0] =	sst s4  }
0xd: {  	[smem:$0x3FB1] =	sst s5  }
0xe: {  	[smem:$0x3FB2] =	sst s6  }
0xf: {  	[smem:$0x3FB3] =	sst s7  }
0x10: {  	[smem:$0x3FB4] =	sst s8  }
0x11: {  	[smem:$0x3FB5] =	sst s9;
	s0 =	simm.s32 @!p0 $0x0  }
0x12: {  	s1 =	sld [smem:$0x3F9B];
	s0 =	simm.s32 @p0 $0x1  }
0x13: {  	[smem:$0x3FB6] =	sst s0;
	s0 =	simm.s32 @!p1 $0x0  }
0x14: {  	s2 =	sld [smem:$0x3F9A];
	s0 =	simm.s32 @p1 $0x1  }
0x15: {  	[smem:$0x3FB7] =	sst s0;
	s0 =	simm.s32 @!p2 $0x0  }
0x16: {  	s3 =	sld [smem:$0x3FDB];
	s0 =	simm.s32 @p2 $0x1  }
0x17: {  	s4 =	simm.s32 $0x1BF5;
	[smem:$0x3FB9] =	sst s0  }
0x18: {  	s0 =	sld [smem:$0x3F9C];
	_ =	swait.ge [sflag:s4], $0x0  }
0x19: {  	s7 =	sld [smem:$0x3F9D]  }
0x1a: {  	s8 =	sadd.s32 $0xFFFFE003, lr  }
0x1b: {  	s9 =	sadd.s32 $0xFFFFFEF7, lr;
	s5 =	simm.s32 $0xFFFFFFFF;
	p2 =	slt.u32 s8, $0xFFFFF086  }
0x1c: {  	p1 =	slt.u32 s9, $0xF7A;
	s5 =	simm.s32 @!p2 $0x0  }
0x1d: {  	s5 =	simm.s32 @p1 $0x1;
	p0 =	seq.s32 s7, s2  }
0x1e: {  	s7 =	smul.u32 @!p0 $0xF7A, s2;
	p2 =	seq.s32 @!p0 s5, $0x0  }
0x1f: {  	s9 =	smul.u32 $0xF7A, s1;
	s8 =	simm.s32 @!p0 $0x1BF5;
	p2 =	por !p2, p0  }
0x20: {  	[sflag:s8] =	ssyncset.s32 @!p0 $0xFFFFF086;
	s6 =	sadd.s32 @!p0 s3, s7;
	s7 =	simm.s32 @!p0 $0x108  }
0x21: {  	s3 =	sadd.s32 s3, s9;
	s6 =	sadd.s32 @!p0 $0x88, s6;
	s7 =	simm.s32 @p2 $0x1082  }
0x22: {  	[simem:s7], [sflag:s8] =	dma.local @!p0 [hbm:s6], $0xF7A  }
0x23: {  	s9 =	sor.u32 $0xD0000000, s2;
	s6 =	simm.s32 $0x108;
	_ =	swait.ge @!p0 [sflag:s8], $0x0  }
0x24: {  	s3 =	sadd.s32 $0x88, s3;
	s6 =	simm.s32 @!p1 $0x1082;
	[sflag:s4] =	ssyncset.s32 $0xFFFFF086  }
0x25: {  	[simem:s6], [sflag:s4] =	dma.local [hbm:s3], $0xF7A  }
0x26: {  	[smem:$0x3F9D] =	sst s1;
	(tag) =	ssettag s2;
	_ =	strace s9  }
0x27: {  	s1 =	sld [smem:$0x3FAD]  }
0x28: {  	s2 =	sld [smem:$0x3FAE]  }
0x29: {  	s4 =	sld [smem:$0x3FB0]  }
0x2a: {  	p0 =	seq.s32 s5, $0x0;
	s5 =	sld [smem:$0x3FB1]  }
0x2b: {  	s6 =	sld [smem:$0x3FB2]  }
0x2c: {  	s7 =	sld [smem:$0x3FB3]  }
0x2d: {  	s3 =	simm.s32 $0x108;
	s8 =	sld [smem:$0x3FB4]  }
0x2e: {  	s3 =	simm.s32 @!p0 $0x1082;
	s9 =	sld [smem:$0x3FB5]  }
0x2f: {  	lr =	sadd.s32 s0, s3;
	s0 =	sld [smem:$0x3FAC]  }
0x30: {  	s3 =	sld [smem:$0x3FAF]  }
0x31: {  	[smem:$0x3FB8] =	sst s10  }
0x32: {  	s10 =	sld [smem:$0x3FB6];
	_ =	sdelay $0x3  }
0x33: {  	p0 =	seq.s32 s10, $0x1;
	s10 =	sld [smem:$0x3FB8];
	_ =	sdelay $0x3  }
0x34: {  	[smem:$0x3FB8] =	sst s10  }
0x35: {  	s10 =	sld [smem:$0x3FB7];
	_ =	sdelay $0x3  }
0x36: {  	p1 =	seq.s32 s10, $0x1;
	s10 =	sld [smem:$0x3FB8];
	_ =	sdelay $0x3  }
0x37: {  	[smem:$0x3FB8] =	sst s10  }
0x38: {  	s10 =	sld [smem:$0x3FB9]  }
0x39: {  	_ = 	snop;
	(pc) =	sbr.ind lr, $3  }
0x3a: {  	_ = 	snop  }
0x3b: {  	_ = 	snop  }
0x3c: {  	p2 =	seq.s32 s10, $0x1;
	s10 =	sld [smem:$0x3FB8]  }
0x3d: {  	_ =	shalt  }
0x3e: {  	_ =	shalt  }
0x3f: {  	_ =	shalt  }
0x40: {  	_ =	shalt  }
0x41: {  	_ =	shalt  }
0x42: {  	_ =	shalt  }
0x43: {  	_ =	shalt  }
0x44: {  	_ =	shalt  }
0x45: {  	_ =	shalt  }
0x46: {  	_ =	shalt  }
0x47: {  	_ =	shalt  }
0x48: {  	_ =	shalt  }
0x49: {  	_ =	shalt  }
0x4a: {  	_ =	shalt  }
0x4b: {  	_ =	shalt  }
0x4c: {  	_ =	shalt  }
0x4d: {  	_ =	shalt  }
0x4e: {  	_ =	shalt  }
0x4f: {  	_ =	shalt  }
0x50: {  	_ =	shalt  }
0x51: {  	_ =	shalt  }
0x52: {  	_ =	shalt  }
0x53: {  	_ =	shalt  }
0x54: {  	_ =	shalt  }
0x55: {  	_ =	shalt  }
0x56: {  	_ =	shalt  }
0x57: {  	_ =	shalt  }
0x58: {  	_ =	shalt  }
0x59: {  	_ =	shalt  }
0x5a: {  	_ =	shalt  }
0x5b: {  	_ =	shalt  }
0x5c: {  	_ =	shalt  }
0x5d: {  	_ =	shalt  }
0x5e: {  	_ =	shalt  }
0x5f: {  	_ =	shalt  }
0x60: {  	_ =	shalt  }
0x61: {  	_ =	shalt  }
0x62: {  	_ =	shalt  }
0x63: {  	_ =	shalt  }
0x64: {  	_ =	shalt  }
0x65: {  	_ =	shalt  }
0x66: {  	_ =	shalt  }
0x67: {  	_ =	shalt  }
0x68: {  	_ =	shalt  }
0x69: {  	_ =	shalt  }
0x6a: {  	_ =	shalt  }
0x6b: {  	_ =	shalt  }
0x6c: {  	_ =	shalt  }
0x6d: {  	_ =	shalt  }
0x6e: {  	_ =	shalt  }
0x6f: {  	_ =	shalt  }
0x70: {  	_ =	shalt  }
0x71: {  	_ =	shalt  }
0x72: {  	_ =	shalt  }
0x73: {  	_ =	shalt  }
0x74: {  	_ =	shalt  }
0x75: {  	_ =	shalt  }
0x76: {  	_ =	shalt  }
0x77: {  	_ =	shalt  }
0x78: {  	_ =	shalt  }
0x79: {  	_ =	shalt  }
0x7a: {  	_ =	shalt  }
0x7b: {  	_ =	shalt  }
0x7c: {  	_ =	shalt  }
0x7d: {  	_ =	shalt  }
0x7e: {  	_ =	shalt  }
0x7f: {  	_ =	shalt  }
0x80: {  	_ =	shalt  }
0x81: {  	_ =	shalt  }
0x82: {  	_ =	shalt  }
0x83: {  	_ =	shalt  }
0x84: {  	_ =	shalt  }
0x85: {  	_ =	shalt  }
0x86: {  	_ =	shalt  }
0x87: {  	_ =	shalt  }
.Lfunc_end0:
.L_simem_size_0:
called_computation_lowered:
.L_overlay_start_0:
0x88: {  	s2 =	sld [smem:$0x3FD9]  }
0x89: {  	s3 =	sld [smem:$0x3FFE];
	_ =	sdelay $0x1  }
0x8a: {  	s1 =	srdreg.scid  }
0x8b: {  	s0 =	sand.u32 $0x1, s1  }
0x8c: {  	s17 =	sshll.u32 s0, $0xA;
	s2 =	sadd.s32 s3, s2  }
0x8d: {  	s2 =	sadd.s32 s2, s17  }
0x8e: {  	[smem:$0x3FC4] =	sst s2  }
0x8f: {  	_ = 	snop  }
0x90: {  	s2 =	sld [smem:$0x3FC8]  }
0x91: {  	s18 =	sld [smem:$0x3FD0];
	(tm) =	ssettm $0x1  }
0x92: {  	s4 =	sld [smem:$0x3FFB];
	_ =	sdelay $0x3  }
0x93: {  	_ =	strace s4  }
0x94: {  	s4 =	sld [smem:$0x3FFC];
	_ =	sdelay $0x3  }
0x95: {  	_ =	strace s4  }
0x96: {  	s4 =	sld [smem:$0x3FFD];
	_ =	sdelay $0x3  }
0x97: {  	_ =	strace s4  }
0x98: {  	_ =	strace $0x8FFFFFFF  }
0x99: {  	s19 =	sld [smem:$0x3FDB];
	_ =	sdelay $0x1  }
0x9a: {  	s5 =	simm.s32 $_scs_section_size  }
0x9b: {  	s6 =	simm.s32 $_size__tile_overlayer_lowered;
	s7 =	simm.s32 $_tile_overlayer_lowered  }
0x9c: {  	s22 =	simm.s32 $0x1BFF;
	s21 =	sshll.u32 s7, $0x1;
	s4 =	sadd.s32 s5, s19  }
0x9d: {  	s8 =	simm.s32 $0x0;
	s20 =	sshll.u32 s6, $0x1;
	s6 =	sadd.s32 s21, s4  }
0x9e: {  	[timem:s8], [sflag:s22] =	dma.local [hbm:s6], s20  }
0x9f: {  	_ =	swait.ge [sflag:s22], s20  }
0xa0: {  	s5 =	ssub.s32 $0x0, s20;
	[sflag:s22] =	ssyncset.done $0x0  }
0xa1: {  	[sflag:s22] =	ssyncadd.s32 s5;
	_ =	sdelay $0x1  }
0xa2: {  	s23 =	simm.s32 $0x1B8B  }
0xa3: {  	_ =	swait.ge [sflag:s23], $0x1  }
0xa4: {  	[sflag:s23] =	ssyncset.done $0x0  }
0xa5: {  	s25 =	simm.s32 $0x1B8E;
	s24 =	sld [smem:$0x3FFE];
	[sflag:s23] =	ssyncadd.s32 $0xFFFFFFFF  }
0xa6: {  	s26 =	simm.s32 $execute0_lowered;
	[smem:$0x3FD2] =	sst s25  }
0xa7: {  	s6 =	sshll.u32 s26, $0x1;
	_ =	strace $0x80000046;
	[dreg:$0x1] =	wrdreg $0xFFFFFFFF  }
0xa8: {  	s28 =	simm.s32 $_size_execute0_lowered;
	s4 =	sadd.s32 s4, s6;
	[dreg:$0x0] =	wrdreg $0x0  }
0xa9: {  	s6 =	sshll.u32 s28, $0x1;
	[dreg:$0x2] =	wrdreg s4  }
0xaa: {  	[dreg:$0x3] =	wrdreg s6  }
0xab: {  	[dreg:$0x4] =	wrdreg $0xC0  }
0xac: {  	_ =	task [dreg:s8], $0x5FFFF  }
0xad: {  	[dreg:$0x1] =	wrdreg $0xFFFFFFFF  }
0xae: {  	[dreg:$0x0] =	wrdreg $0x60  }
0xaf: {  	[dreg:$0x2] =	wrdreg s24  }
0xb0: {  	[dreg:$0x3] =	wrdreg s2  }
0xb1: {  	[dreg:$0x4] =	wrdreg s18  }
0xb2: {  	[dreg:$0x5] =	wrdreg $0x9  }
0xb3: {  	_ =	task.clear_ibuf [dreg:s8], $0x6FFFF;
	_ =	strace $0x90000046  }
0xb4: {  	s29 =	simm.s32 $0x9;
	_ =	strace $0x80000048  }
0xb5: {  	_ =	swait.ge [sflag:s29], $0x1  }
0xb6: {  	[sflag:s29] =	ssyncadd.s32 $0xFFFFFFFF  }
0xb7: {  	_ =	strace $0x90000048  }
0xb8: {  	_ =	sfence  }
0xb9: {  	s30 =	sld [smem:$0x0];
	_ =	sdelay $0x2  }
0xba: {  	s31 =	sshll.u32 s1, $0xD;
	s1 =	sshrl.u32 s1, $0x2  }
0xbb: {  	s3 =	sand.u32 $0x4000, s31;
	s1 =	sadd.s32 s1, s30  }
0xbc: {  	s0 =	sor.u32 s3, s0;
	s1 =	sshll.u32 s1, $0x11  }
0xbd: {  	s0 =	sor.u32 s1, s0  }
0xbe: {  	s0 =	sadd.s32 $0x8F2B, s0  }
0xbf: {  	[sflag:s0] =	ssyncadd.remote.s32 $0x1  }
0xc0: {  	_ =	sfence.sel $0xFFFF  }
0xc1: {  	[dreg:$0x0] =	wrdreg $0xFFFFFFFF;
	(pc) =	sbr.abs _section_cstart, $3  }
0xc2: {  	[dreg:$0x1] =	wrdreg $0xFFFFFFFF  }
0xc3: {  	_ =	task.clear_ibuf [dreg:s8], $0x2FFFF;
	_ =	strace $0x9FFFFFFF  }
0xc4: {  	(tm) =	ssettm $0x7FFFFFFF  }
0xc5: {  	_ =	shalt  }
tec
execute0_lowered:
.L_overlay_start_1:
0x0: {  	(tag) =	ssettag $0x1  }
0x1: {  	s4 =	rddreg [dreg:$0x0];
	s1 =	srdreg.scid  }
0x2: {  	s0 =	stileid.u32;
	s2 =	rddreg [dreg:$0x1]  }
0x3: {  	s6 =	rddreg [dreg:$0x2];
	s3 =	simm.s32 $0x0;
	s9 =	simm.s32 $0x5C00  }
0x4: {  	s10 =	simm.s32 $0x9C00;
	s11 =	simm.s32 $0x100;
	s12 =	simm.s32 $0xDC00  }
0x5: {  	s13 =	simm.s32 $0x180;
	s14 =	simm.s32 $0x11C00;
	s15 =	simm.s32 $0x15C00  }
0x6: {  	s16 =	simm.s32 $0x1;
	s17 =	simm.s32 $0x2;
	s18 =	simm.s32 $0x3  }
0x7: {  	s19 =	simm.s32 $0x4;
	s20 =	simm.s32 $0x5;
	s21 =	simm.s32 $0x1C00  }
0x8: {  	s5 =	sand.u32 $0x1, s1;
	s29 =	sshll.u32 s0, $0x1;
	s1 =	rddreg [dreg:$0x3]  }
0x9: {  	s22 =	simm.s32 $0x0;
	[smem:$0x7FF] =	sst s3;
	s7 =	sor.u32 s5, s29  }
0xa: {  	s5 =	ssub.s32 $0x2, s5;
	_ =	strace $0x80000047;
	s8 =	smul.u32 $0x380, s7  }
0xb: {  	s30 =	sshrl.u32 s5, $0x1;
	s31 =	sshll.u32 s7, $0xB;
	s7 =	simm.s32 $0x6  }
0xc: {  	s4 =	sadd.s32 s8, s4;
	s8 =	ssub.s32 s5, s30;
	s5 =	sadd.s32 s6, s31  }
0xd: {  	v0 =	vimm.f32 $0.0e+00;
	s4 =	sadd.s32 $0xA00, s4;
	s6 =	smax.u32 s8, $0x1;
	s8 =	simm.s32 $0x80  }
.LBB2_1:
0xe: {  	[tilespmem:s3], [sflag:$0x6] =	stream.linear.gather [hbm4b:s4+s3], $0x1900, $0x38;
	[tilespmem:$0x19C00] =	vst v63  }
0xf: {  	_ =	swait.ge [sflag:s7], $0x1900  }
0x10: {  	[sflag:s7] =	ssyncset.done $0x0  }
0x11: {  	[sflag:s7] =	ssyncadd.s32 $0xFFFFE700  }
0x12: {  	[tilespmem:s9], [sflag:$0x1] =	stream.indirect.gather [hbm4b:s2+s8], $0x80, s3, s8, $0xb8;
	[tilespmem:$0x19C00] =	vst v63  }
0x13: {  	_ = 	snop  }
0x14: {  	[tilespmem:s10], [sflag:$0x2] =	stream.indirect.gather [hbm4b:s2+s8], $0x80, s8, s8, $0xb8;
	[tilespmem:$0x19C00] =	vst v63  }
0x15: {  	_ = 	snop  }
0x16: {  	[tilespmem:s12], [sflag:$0x3] =	stream.indirect.gather [hbm4b:s2+s8], $0x80, s11, s8, $0xb8;
	[tilespmem:$0x19C00] =	vst v63  }
0x17: {  	s24 =	simm.s32 $0x0;
	s23 =	simm.s32 $0x200  }
0x18: {  	[tilespmem:s14], [sflag:$0x4] =	stream.indirect.gather [hbm4b:s2+s8], $0x80, s13, s8, $0xb8;
	[tilespmem:$0x19C00] =	vst v63  }
.LBB2_2:
0x19: {  	p0 =	sne.s32 s23, $0xFE00;
	[tilespmem:s24+$0x1C70] =	vst v0  }
0x1a: {  	[tilespmem:s24+$0x1C00] =	vst v0  }
0x1b: {  	[tilespmem:s24+$0x1C10] =	vst v0  }
.Ltmp0:
0x1c: {  	[tilespmem:s24+$0x1C20] =	vst v0;
	(pc) =	sbr.rel @p0 .LBB2_2-.Ltmp0, $4  }
0x1d: {  	[tilespmem:s24+$0x1C30] =	vst v0  }
0x1e: {  	[tilespmem:s24+$0x1C40] =	vst v0  }
0x1f: {  	[tilespmem:s24+$0x1C50] =	vst v0  }
0x20: {  	[tilespmem:s24+$0x1C60] =	vst v0;
	s24 =	sshra.s32 s23, $0x2;
	s23 =	sadd.s32 $0x200, s23  }
0x21: {  	[tilespmem:s24+$0x1C70] =	vst v0  }
0x22: {  	[tilespmem:s24+$0x1C00] =	vst v0  }
0x23: {  	[tilespmem:s24+$0x1C10] =	vst v0  }
0x24: {  	[tilespmem:s24+$0x1C20] =	vst v0  }
0x25: {  	[tilespmem:s24+$0x1C30] =	vst v0  }
0x26: {  	[tilespmem:s24+$0x1C40] =	vst v0  }
0x27: {  	[tilespmem:s24+$0x1C50] =	vst v0  }
0x28: {  	s23 =	simm.s32 $0x0;
	[tilespmem:s24+$0x1C60] =	vst v0  }
.LBB2_4:
0x29: {  	s24 =	smul.u32 $0xA00, s23;
	_ =	sdelay $0x1  }
0x2a: {  	s24 =	sshra.s32 s24, $0x2  }
0x2b: {  	s25 =	sadd.s32 $0x200, s24  }
0x2c: {  	[tilespmem:s15], [sflag:$0x5] =	stream.indirect.gather [hbm4b:s2+s8], $0x80, s25, s8, $0xb8;
	[tilespmem:$0x19C00] =	vst v63  }
0x2d: {  	_ =	swait.ge [sflag:s16], $0x4000  }
0x2e: {  	[sflag:s16] =	ssyncset.done $0x0  }
0x2f: {  	s26 =	simm.s32 $0x400;
	s25 =	simm.s32 $0x0;
	[sflag:s16] =	ssyncadd.s32 $0xFFFFC000  }
.LBB2_5:
0x30: {  	p0 =	sne.s32 s26, $0xFC00;
	v1 =	vld [tilespmem:s25+$0x5CF0]  }
0x31: {  	v2 =	vld [tilespmem:s25+$0x5C00]  }
0x32: {  	v3 =	vld [tilespmem:s25+$0x5C10]  }
0x33: {  	v4 =	vld [tilespmem:s25+$0x5C20]  }
0x34: {  	v5 =	vld [tilespmem:s25+$0x5C30]  }
0x35: {  	[tilespmem:s25+$0x1CF0] =	vst.add.f32.msk $0xffff, v1  }
0x36: {  	v1 =	vld [tilespmem:s25+$0x5C40]  }
0x37: {  	v6 =	vld [tilespmem:s25+$0x5C50]  }
0x38: {  	v7 =	vld [tilespmem:s25+$0x5C60]  }
0x39: {  	v8 =	vld [tilespmem:s25+$0x5C70]  }
0x3a: {  	v9 =	vld [tilespmem:s25+$0x5C80]  }
0x3b: {  	v10 =	vld [tilespmem:s25+$0x5C90]  }
0x3c: {  	v11 =	vld [tilespmem:s25+$0x5CA0]  }
0x3d: {  	v12 =	vld [tilespmem:s25+$0x5CB0]  }
0x3e: {  	v13 =	vld [tilespmem:s25+$0x5CC0]  }
0x3f: {  	v14 =	vld [tilespmem:s25+$0x5CD0]  }
0x40: {  	v15 =	vld [tilespmem:s25+$0x5CE0]  }
0x41: {  	[tilespmem:s25+$0x1C00] =	vst.add.f32.msk $0xffff, v2  }
0x42: {  	[tilespmem:s25+$0x1C10] =	vst.add.f32.msk $0xffff, v3  }
0x43: {  	[tilespmem:s25+$0x1C20] =	vst.add.f32.msk $0xffff, v4  }
0x44: {  	[tilespmem:s25+$0x1C30] =	vst.add.f32.msk $0xffff, v5  }
0x45: {  	[tilespmem:s25+$0x1C40] =	vst.add.f32.msk $0xffff, v1  }
0x46: {  	[tilespmem:s25+$0x1C50] =	vst.add.f32.msk $0xffff, v6  }
0x47: {  	[tilespmem:s25+$0x1C60] =	vst.add.f32.msk $0xffff, v7  }
0x48: {  	[tilespmem:s25+$0x1C70] =	vst.add.f32.msk $0xffff, v8  }
0x49: {  	[tilespmem:s25+$0x1C80] =	vst.add.f32.msk $0xffff, v9  }
0x4a: {  	[tilespmem:s25+$0x1C90] =	vst.add.f32.msk $0xffff, v10  }
.Ltmp1:
0x4b: {  	[tilespmem:s25+$0x1CA0] =	vst.add.f32.msk $0xffff, v11;
	(pc) =	sbr.rel @p0 .LBB2_5-.Ltmp1, $4  }
0x4c: {  	[tilespmem:s25+$0x1CB0] =	vst.add.f32.msk $0xffff, v12  }
0x4d: {  	[tilespmem:s25+$0x1CC0] =	vst.add.f32.msk $0xffff, v13  }
0x4e: {  	[tilespmem:s25+$0x1CD0] =	vst.add.f32.msk $0xffff, v14  }
0x4f: {  	[tilespmem:s25+$0x1CE0] =	vst.add.f32.msk $0xffff, v15;
	s25 =	sshra.s32 s26, $0x2;
	s26 =	sadd.s32 $0x400, s26  }
0x50: {  	v1 =	vld [tilespmem:s25+$0x5CF0]  }
0x51: {  	v2 =	vld [tilespmem:s25+$0x5C00]  }
0x52: {  	v3 =	vld [tilespmem:s25+$0x5C10]  }
0x53: {  	v4 =	vld [tilespmem:s25+$0x5C20]  }
0x54: {  	v5 =	vld [tilespmem:s25+$0x5C30]  }
0x55: {  	v6 =	vld [tilespmem:s25+$0x5C50]  }
0x56: {  	v7 =	vld [tilespmem:s25+$0x5C60]  }
0x57: {  	v8 =	vld [tilespmem:s25+$0x5C70]  }
0x58: {  	v9 =	vld [tilespmem:s25+$0x5C80]  }
0x59: {  	v10 =	vld [tilespmem:s25+$0x5C90]  }
0x5a: {  	v11 =	vld [tilespmem:s25+$0x5CA0]  }
0x5b: {  	v12 =	vld [tilespmem:s25+$0x5CB0]  }
0x5c: {  	v13 =	vld [tilespmem:s25+$0x5CC0]  }
0x5d: {  	v14 =	vld [tilespmem:s25+$0x5CD0]  }
0x5e: {  	v15 =	vld [tilespmem:s25+$0x5CE0]  }
0x5f: {  	[tilespmem:s25+$0x1CF0] =	vst.add.f32.msk $0xffff, v1  }
0x60: {  	v1 =	vld [tilespmem:s25+$0x5C40]  }
0x61: {  	[tilespmem:s25+$0x1C00] =	vst.add.f32.msk $0xffff, v2  }
0x62: {  	[tilespmem:s25+$0x1C10] =	vst.add.f32.msk $0xffff, v3  }
0x63: {  	[tilespmem:s25+$0x1C20] =	vst.add.f32.msk $0xffff, v4  }
0x64: {  	[tilespmem:s25+$0x1C30] =	vst.add.f32.msk $0xffff, v5  }
0x65: {  	[tilespmem:s25+$0x1C50] =	vst.add.f32.msk $0xffff, v6  }
0x66: {  	[tilespmem:s25+$0x1C60] =	vst.add.f32.msk $0xffff, v7  }
0x67: {  	[tilespmem:s25+$0x1C70] =	vst.add.f32.msk $0xffff, v8  }
0x68: {  	[tilespmem:s25+$0x1C80] =	vst.add.f32.msk $0xffff, v9  }
0x69: {  	[tilespmem:s25+$0x1C90] =	vst.add.f32.msk $0xffff, v10  }
0x6a: {  	[tilespmem:s25+$0x1CA0] =	vst.add.f32.msk $0xffff, v11  }
0x6b: {  	[tilespmem:s25+$0x1CB0] =	vst.add.f32.msk $0xffff, v12  }
0x6c: {  	[tilespmem:s25+$0x1CC0] =	vst.add.f32.msk $0xffff, v13  }
0x6d: {  	[tilespmem:s25+$0x1CD0] =	vst.add.f32.msk $0xffff, v14  }
0x6e: {  	p0 =	seq.s32 s23, $0x9;
	[tilespmem:s25+$0x1CE0] =	vst.add.f32.msk $0xffff, v15  }
0x6f: {  	s26 =	simm.s32 @!p0 $0x80;
	s28 =	simm.s32 @!p0 $0x5C00;
	[tilespmem:s25+$0x1C40] =	vst.add.f32.msk $0xffff, v1;
	s25 =	sadd.s32 @!p0 $0x280, s24  }
0x70: {  	[tilespmem:s28], [sflag:$0x1] =	stream.indirect.gather @!p0 [hbm4b:s2+s26], $0x80, s25, s26, $0xb8;
	[tilespmem:$0x19C00] =	vst v63  }
0x71: {  	_ =	swait.ge [sflag:s17], $0x4000  }
0x72: {  	[sflag:s17] =	ssyncset.done $0x0  }
0x73: {  	s25 =	simm.s32 $0x0;
	s26 =	simm.s32 $0x400;
	[sflag:s17] =	ssyncadd.s32 $0xFFFFC000  }
.LBB2_7:
0x74: {  	p1 =	sne.s32 s26, $0xFC00;
	v1 =	vld [tilespmem:s25+$0x9CF0]  }
0x75: {  	v2 =	vld [tilespmem:s25+$0x9C00]  }
0x76: {  	v3 =	vld [tilespmem:s25+$0x9C10]  }
0x77: {  	v4 =	vld [tilespmem:s25+$0x9C20]  }
0x78: {  	v5 =	vld [tilespmem:s25+$0x9C30]  }
0x79: {  	[tilespmem:s25+$0x1CF0] =	vst.add.f32.msk $0xffff, v1  }
0x7a: {  	v1 =	vld [tilespmem:s25+$0x9C40]  }
0x7b: {  	v6 =	vld [tilespmem:s25+$0x9C50]  }
0x7c: {  	v7 =	vld [tilespmem:s25+$0x9C60]  }
0x7d: {  	v8 =	vld [tilespmem:s25+$0x9C70]  }
0x7e: {  	v9 =	vld [tilespmem:s25+$0x9C80]  }
0x7f: {  	v10 =	vld [tilespmem:s25+$0x9C90]  }
0x80: {  	v11 =	vld [tilespmem:s25+$0x9CA0]  }
0x81: {  	v12 =	vld [tilespmem:s25+$0x9CB0]  }
0x82: {  	v13 =	vld [tilespmem:s25+$0x9CC0]  }
0x83: {  	v14 =	vld [tilespmem:s25+$0x9CD0]  }
0x84: {  	v15 =	vld [tilespmem:s25+$0x9CE0]  }
0x85: {  	[tilespmem:s25+$0x1C00] =	vst.add.f32.msk $0xffff, v2  }
0x86: {  	[tilespmem:s25+$0x1C10] =	vst.add.f32.msk $0xffff, v3  }
0x87: {  	[tilespmem:s25+$0x1C20] =	vst.add.f32.msk $0xffff, v4  }
0x88: {  	[tilespmem:s25+$0x1C30] =	vst.add.f32.msk $0xffff, v5  }
0x89: {  	[tilespmem:s25+$0x1C40] =	vst.add.f32.msk $0xffff, v1  }
0x8a: {  	[tilespmem:s25+$0x1C50] =	vst.add.f32.msk $0xffff, v6  }
0x8b: {  	[tilespmem:s25+$0x1C60] =	vst.add.f32.msk $0xffff, v7  }
0x8c: {  	[tilespmem:s25+$0x1C70] =	vst.add.f32.msk $0xffff, v8  }
0x8d: {  	[tilespmem:s25+$0x1C80] =	vst.add.f32.msk $0xffff, v9  }
0x8e: {  	[tilespmem:s25+$0x1C90] =	vst.add.f32.msk $0xffff, v10  }
.Ltmp2:
0x8f: {  	[tilespmem:s25+$0x1CA0] =	vst.add.f32.msk $0xffff, v11;
	(pc) =	sbr.rel @p1 .LBB2_7-.Ltmp2, $4  }
0x90: {  	[tilespmem:s25+$0x1CB0] =	vst.add.f32.msk $0xffff, v12  }
0x91: {  	[tilespmem:s25+$0x1CC0] =	vst.add.f32.msk $0xffff, v13  }
0x92: {  	[tilespmem:s25+$0x1CD0] =	vst.add.f32.msk $0xffff, v14  }
0x93: {  	[tilespmem:s25+$0x1CE0] =	vst.add.f32.msk $0xffff, v15;
	s25 =	sshra.s32 s26, $0x2;
	s26 =	sadd.s32 $0x400, s26  }
0x94: {  	v1 =	vld [tilespmem:s25+$0x9CF0]  }
0x95: {  	v2 =	vld [tilespmem:s25+$0x9C00]  }
0x96: {  	v3 =	vld [tilespmem:s25+$0x9C10]  }
0x97: {  	v4 =	vld [tilespmem:s25+$0x9C20]  }
0x98: {  	v5 =	vld [tilespmem:s25+$0x9C30]  }
0x99: {  	v6 =	vld [tilespmem:s25+$0x9C50]  }
0x9a: {  	v7 =	vld [tilespmem:s25+$0x9C60]  }
0x9b: {  	v8 =	vld [tilespmem:s25+$0x9C70]  }
0x9c: {  	v9 =	vld [tilespmem:s25+$0x9C80]  }
0x9d: {  	v10 =	vld [tilespmem:s25+$0x9C90]  }
0x9e: {  	v11 =	vld [tilespmem:s25+$0x9CA0]  }
0x9f: {  	v12 =	vld [tilespmem:s25+$0x9CB0]  }
0xa0: {  	v13 =	vld [tilespmem:s25+$0x9CC0]  }
0xa1: {  	v14 =	vld [tilespmem:s25+$0x9CD0]  }
0xa2: {  	v15 =	vld [tilespmem:s25+$0x9CE0]  }
0xa3: {  	[tilespmem:s25+$0x1CF0] =	vst.add.f32.msk $0xffff, v1  }
0xa4: {  	v1 =	vld [tilespmem:s25+$0x9C40]  }
0xa5: {  	[tilespmem:s25+$0x1C00] =	vst.add.f32.msk $0xffff, v2  }
0xa6: {  	[tilespmem:s25+$0x1C10] =	vst.add.f32.msk $0xffff, v3  }
0xa7: {  	[tilespmem:s25+$0x1C20] =	vst.add.f32.msk $0xffff, v4  }
0xa8: {  	[tilespmem:s25+$0x1C30] =	vst.add.f32.msk $0xffff, v5  }
0xa9: {  	[tilespmem:s25+$0x1C50] =	vst.add.f32.msk $0xffff, v6  }
0xaa: {  	[tilespmem:s25+$0x1C60] =	vst.add.f32.msk $0xffff, v7  }
0xab: {  	[tilespmem:s25+$0x1C70] =	vst.add.f32.msk $0xffff, v8  }
0xac: {  	[tilespmem:s25+$0x1C80] =	vst.add.f32.msk $0xffff, v9  }
0xad: {  	[tilespmem:s25+$0x1C90] =	vst.add.f32.msk $0xffff, v10  }
0xae: {  	[tilespmem:s25+$0x1CA0] =	vst.add.f32.msk $0xffff, v11  }
0xaf: {  	[tilespmem:s25+$0x1CB0] =	vst.add.f32.msk $0xffff, v12  }
0xb0: {  	[tilespmem:s25+$0x1CC0] =	vst.add.f32.msk $0xffff, v13  }
0xb1: {  	[tilespmem:s25+$0x1CD0] =	vst.add.f32.msk $0xffff, v14  }
0xb2: {  	[tilespmem:s25+$0x1CE0] =	vst.add.f32.msk $0xffff, v15  }
0xb3: {  	s26 =	simm.s32 @!p0 $0x80;
	s28 =	simm.s32 @!p0 $0x9C00;
	[tilespmem:s25+$0x1C40] =	vst.add.f32.msk $0xffff, v1;
	s25 =	sadd.s32 @!p0 $0x300, s24  }
0xb4: {  	[tilespmem:s28], [sflag:$0x2] =	stream.indirect.gather @!p0 [hbm4b:s2+s26], $0x80, s25, s26, $0xb8;
	[tilespmem:$0x19C00] =	vst v63  }
0xb5: {  	_ =	swait.ge [sflag:s18], $0x4000  }
0xb6: {  	[sflag:s18] =	ssyncset.done $0x0  }
0xb7: {  	s25 =	simm.s32 $0x0;
	s26 =	simm.s32 $0x400;
	[sflag:s18] =	ssyncadd.s32 $0xFFFFC000  }
.LBB2_9:
0xb8: {  	p1 =	sne.s32 s26, $0xFC00;
	v1 =	vld [tilespmem:s25+$0xDCF0]  }
0xb9: {  	v2 =	vld [tilespmem:s25+$0xDC00]  }
0xba: {  	v3 =	vld [tilespmem:s25+$0xDC10]  }
0xbb: {  	v4 =	vld [tilespmem:s25+$0xDC20]  }
0xbc: {  	v5 =	vld [tilespmem:s25+$0xDC30]  }
0xbd: {  	[tilespmem:s25+$0x1CF0] =	vst.add.f32.msk $0xffff, v1  }
0xbe: {  	v1 =	vld [tilespmem:s25+$0xDC40]  }
0xbf: {  	v6 =	vld [tilespmem:s25+$0xDC50]  }
0xc0: {  	v7 =	vld [tilespmem:s25+$0xDC60]  }
0xc1: {  	v8 =	vld [tilespmem:s25+$0xDC70]  }
0xc2: {  	v9 =	vld [tilespmem:s25+$0xDC80]  }
0xc3: {  	v10 =	vld [tilespmem:s25+$0xDC90]  }
0xc4: {  	v11 =	vld [tilespmem:s25+$0xDCA0]  }
0xc5: {  	v12 =	vld [tilespmem:s25+$0xDCB0]  }
0xc6: {  	v13 =	vld [tilespmem:s25+$0xDCC0]  }
0xc7: {  	v14 =	vld [tilespmem:s25+$0xDCD0]  }
0xc8: {  	v15 =	vld [tilespmem:s25+$0xDCE0]  }
0xc9: {  	[tilespmem:s25+$0x1C00] =	vst.add.f32.msk $0xffff, v2  }
0xca: {  	[tilespmem:s25+$0x1C10] =	vst.add.f32.msk $0xffff, v3  }
0xcb: {  	[tilespmem:s25+$0x1C20] =	vst.add.f32.msk $0xffff, v4  }
0xcc: {  	[tilespmem:s25+$0x1C30] =	vst.add.f32.msk $0xffff, v5  }
0xcd: {  	[tilespmem:s25+$0x1C40] =	vst.add.f32.msk $0xffff, v1  }
0xce: {  	[tilespmem:s25+$0x1C50] =	vst.add.f32.msk $0xffff, v6  }
0xcf: {  	[tilespmem:s25+$0x1C60] =	vst.add.f32.msk $0xffff, v7  }
0xd0: {  	[tilespmem:s25+$0x1C70] =	vst.add.f32.msk $0xffff, v8  }
0xd1: {  	[tilespmem:s25+$0x1C80] =	vst.add.f32.msk $0xffff, v9  }
0xd2: {  	[tilespmem:s25+$0x1C90] =	vst.add.f32.msk $0xffff, v10  }
.Ltmp3:
0xd3: {  	[tilespmem:s25+$0x1CA0] =	vst.add.f32.msk $0xffff, v11;
	(pc) =	sbr.rel @p1 .LBB2_9-.Ltmp3, $4  }
0xd4: {  	[tilespmem:s25+$0x1CB0] =	vst.add.f32.msk $0xffff, v12  }
0xd5: {  	[tilespmem:s25+$0x1CC0] =	vst.add.f32.msk $0xffff, v13  }
0xd6: {  	[tilespmem:s25+$0x1CD0] =	vst.add.f32.msk $0xffff, v14  }
0xd7: {  	[tilespmem:s25+$0x1CE0] =	vst.add.f32.msk $0xffff, v15;
	s25 =	sshra.s32 s26, $0x2;
	s26 =	sadd.s32 $0x400, s26  }
0xd8: {  	v1 =	vld [tilespmem:s25+$0xDCF0]  }
0xd9: {  	v2 =	vld [tilespmem:s25+$0xDC00]  }
0xda: {  	v3 =	vld [tilespmem:s25+$0xDC10]  }
0xdb: {  	v4 =	vld [tilespmem:s25+$0xDC20]  }
0xdc: {  	v5 =	vld [tilespmem:s25+$0xDC30]  }
0xdd: {  	v6 =	vld [tilespmem:s25+$0xDC50]  }
0xde: {  	v7 =	vld [tilespmem:s25+$0xDC60]  }
0xdf: {  	v8 =	vld [tilespmem:s25+$0xDC70]  }
0xe0: {  	v9 =	vld [tilespmem:s25+$0xDC80]  }
0xe1: {  	v10 =	vld [tilespmem:s25+$0xDC90]  }
0xe2: {  	v11 =	vld [tilespmem:s25+$0xDCA0]  }
0xe3: {  	v12 =	vld [tilespmem:s25+$0xDCB0]  }
0xe4: {  	v13 =	vld [tilespmem:s25+$0xDCC0]  }
0xe5: {  	v14 =	vld [tilespmem:s25+$0xDCD0]  }
0xe6: {  	v15 =	vld [tilespmem:s25+$0xDCE0]  }
0xe7: {  	[tilespmem:s25+$0x1CF0] =	vst.add.f32.msk $0xffff, v1  }
0xe8: {  	v1 =	vld [tilespmem:s25+$0xDC40]  }
0xe9: {  	[tilespmem:s25+$0x1C00] =	vst.add.f32.msk $0xffff, v2  }
0xea: {  	[tilespmem:s25+$0x1C10] =	vst.add.f32.msk $0xffff, v3  }
0xeb: {  	[tilespmem:s25+$0x1C20] =	vst.add.f32.msk $0xffff, v4  }
0xec: {  	[tilespmem:s25+$0x1C30] =	vst.add.f32.msk $0xffff, v5  }
0xed: {  	[tilespmem:s25+$0x1C50] =	vst.add.f32.msk $0xffff, v6  }
0xee: {  	[tilespmem:s25+$0x1C60] =	vst.add.f32.msk $0xffff, v7  }
0xef: {  	[tilespmem:s25+$0x1C70] =	vst.add.f32.msk $0xffff, v8  }
0xf0: {  	[tilespmem:s25+$0x1C80] =	vst.add.f32.msk $0xffff, v9  }
0xf1: {  	[tilespmem:s25+$0x1C90] =	vst.add.f32.msk $0xffff, v10  }
0xf2: {  	[tilespmem:s25+$0x1CA0] =	vst.add.f32.msk $0xffff, v11  }
0xf3: {  	[tilespmem:s25+$0x1CB0] =	vst.add.f32.msk $0xffff, v12  }
0xf4: {  	[tilespmem:s25+$0x1CC0] =	vst.add.f32.msk $0xffff, v13  }
0xf5: {  	[tilespmem:s25+$0x1CD0] =	vst.add.f32.msk $0xffff, v14  }
0xf6: {  	[tilespmem:s25+$0x1CE0] =	vst.add.f32.msk $0xffff, v15  }
0xf7: {  	s26 =	simm.s32 @!p0 $0x80;
	s28 =	simm.s32 @!p0 $0xDC00;
	[tilespmem:s25+$0x1C40] =	vst.add.f32.msk $0xffff, v1;
	s25 =	sadd.s32 @!p0 $0x380, s24  }
0xf8: {  	[tilespmem:s28], [sflag:$0x3] =	stream.indirect.gather @!p0 [hbm4b:s2+s26], $0x80, s25, s26, $0xb8;
	[tilespmem:$0x19C00] =	vst v63  }
0xf9: {  	_ =	swait.ge [sflag:s19], $0x4000  }
0xfa: {  	[sflag:s19] =	ssyncset.done $0x0  }
0xfb: {  	s25 =	simm.s32 $0x0;
	s26 =	simm.s32 $0x400;
	[sflag:s19] =	ssyncadd.s32 $0xFFFFC000  }
.LBB2_11:
0xfc: {  	p1 =	sne.s32 s26, $0xFC00;
	v1 =	vld [tilespmem:s25+$0x11CF0]  }
0xfd: {  	v2 =	vld [tilespmem:s25+$0x11C00]  }
0xfe: {  	v3 =	vld [tilespmem:s25+$0x11C10]  }
0xff: {  	v4 =	vld [tilespmem:s25+$0x11C20]  }
0x100: {  	v5 =	vld [tilespmem:s25+$0x11C30]  }
0x101: {  	[tilespmem:s25+$0x1CF0] =	vst.add.f32.msk $0xffff, v1  }
0x102: {  	v1 =	vld [tilespmem:s25+$0x11C40]  }
0x103: {  	v6 =	vld [tilespmem:s25+$0x11C50]  }
0x104: {  	v7 =	vld [tilespmem:s25+$0x11C60]  }
0x105: {  	v8 =	vld [tilespmem:s25+$0x11C70]  }
0x106: {  	v9 =	vld [tilespmem:s25+$0x11C80]  }
0x107: {  	v10 =	vld [tilespmem:s25+$0x11C90]  }
0x108: {  	v11 =	vld [tilespmem:s25+$0x11CA0]  }
0x109: {  	v12 =	vld [tilespmem:s25+$0x11CB0]  }
0x10a: {  	v13 =	vld [tilespmem:s25+$0x11CC0]  }
0x10b: {  	v14 =	vld [tilespmem:s25+$0x11CD0]  }
0x10c: {  	v15 =	vld [tilespmem:s25+$0x11CE0]  }
0x10d: {  	[tilespmem:s25+$0x1C00] =	vst.add.f32.msk $0xffff, v2  }
0x10e: {  	[tilespmem:s25+$0x1C10] =	vst.add.f32.msk $0xffff, v3  }
0x10f: {  	[tilespmem:s25+$0x1C20] =	vst.add.f32.msk $0xffff, v4  }
0x110: {  	[tilespmem:s25+$0x1C30] =	vst.add.f32.msk $0xffff, v5  }
0x111: {  	[tilespmem:s25+$0x1C40] =	vst.add.f32.msk $0xffff, v1  }
0x112: {  	[tilespmem:s25+$0x1C50] =	vst.add.f32.msk $0xffff, v6  }
0x113: {  	[tilespmem:s25+$0x1C60] =	vst.add.f32.msk $0xffff, v7  }
0x114: {  	[tilespmem:s25+$0x1C70] =	vst.add.f32.msk $0xffff, v8  }
0x115: {  	[tilespmem:s25+$0x1C80] =	vst.add.f32.msk $0xffff, v9  }
0x116: {  	[tilespmem:s25+$0x1C90] =	vst.add.f32.msk $0xffff, v10  }
.Ltmp4:
0x117: {  	[tilespmem:s25+$0x1CA0] =	vst.add.f32.msk $0xffff, v11;
	(pc) =	sbr.rel @p1 .LBB2_11-.Ltmp4, $4  }
0x118: {  	[tilespmem:s25+$0x1CB0] =	vst.add.f32.msk $0xffff, v12  }
0x119: {  	[tilespmem:s25+$0x1CC0] =	vst.add.f32.msk $0xffff, v13  }
0x11a: {  	[tilespmem:s25+$0x1CD0] =	vst.add.f32.msk $0xffff, v14  }
0x11b: {  	[tilespmem:s25+$0x1CE0] =	vst.add.f32.msk $0xffff, v15;
	s25 =	sshra.s32 s26, $0x2;
	s26 =	sadd.s32 $0x400, s26  }
0x11c: {  	v1 =	vld [tilespmem:s25+$0x11CF0]  }
0x11d: {  	v2 =	vld [tilespmem:s25+$0x11C00]  }
0x11e: {  	v3 =	vld [tilespmem:s25+$0x11C10]  }
0x11f: {  	v4 =	vld [tilespmem:s25+$0x11C20]  }
0x120: {  	v5 =	vld [tilespmem:s25+$0x11C30]  }
0x121: {  	v6 =	vld [tilespmem:s25+$0x11C50]  }
0x122: {  	v7 =	vld [tilespmem:s25+$0x11C60]  }
0x123: {  	v8 =	vld [tilespmem:s25+$0x11C70]  }
0x124: {  	v9 =	vld [tilespmem:s25+$0x11C80]  }
0x125: {  	v10 =	vld [tilespmem:s25+$0x11C90]  }
0x126: {  	v11 =	vld [tilespmem:s25+$0x11CA0]  }
0x127: {  	v12 =	vld [tilespmem:s25+$0x11CB0]  }
0x128: {  	v13 =	vld [tilespmem:s25+$0x11CC0]  }
0x129: {  	v14 =	vld [tilespmem:s25+$0x11CD0]  }
0x12a: {  	v15 =	vld [tilespmem:s25+$0x11CE0]  }
0x12b: {  	[tilespmem:s25+$0x1CF0] =	vst.add.f32.msk $0xffff, v1  }
0x12c: {  	v1 =	vld [tilespmem:s25+$0x11C40]  }
0x12d: {  	[tilespmem:s25+$0x1C00] =	vst.add.f32.msk $0xffff, v2  }
0x12e: {  	[tilespmem:s25+$0x1C10] =	vst.add.f32.msk $0xffff, v3  }
0x12f: {  	[tilespmem:s25+$0x1C20] =	vst.add.f32.msk $0xffff, v4  }
0x130: {  	[tilespmem:s25+$0x1C30] =	vst.add.f32.msk $0xffff, v5  }
0x131: {  	[tilespmem:s25+$0x1C50] =	vst.add.f32.msk $0xffff, v6  }
0x132: {  	[tilespmem:s25+$0x1C60] =	vst.add.f32.msk $0xffff, v7  }
0x133: {  	[tilespmem:s25+$0x1C70] =	vst.add.f32.msk $0xffff, v8  }
0x134: {  	[tilespmem:s25+$0x1C80] =	vst.add.f32.msk $0xffff, v9  }
0x135: {  	[tilespmem:s25+$0x1C90] =	vst.add.f32.msk $0xffff, v10  }
0x136: {  	[tilespmem:s25+$0x1CA0] =	vst.add.f32.msk $0xffff, v11  }
0x137: {  	[tilespmem:s25+$0x1CB0] =	vst.add.f32.msk $0xffff, v12  }
0x138: {  	[tilespmem:s25+$0x1CC0] =	vst.add.f32.msk $0xffff, v13  }
0x139: {  	[tilespmem:s25+$0x1CD0] =	vst.add.f32.msk $0xffff, v14  }
0x13a: {  	[tilespmem:s25+$0x1CE0] =	vst.add.f32.msk $0xffff, v15  }
0x13b: {  	s24 =	sadd.s32 @!p0 $0x400, s24;
	s26 =	simm.s32 @!p0 $0x11C00;
	[tilespmem:s25+$0x1C40] =	vst.add.f32.msk $0xffff, v1;
	s25 =	simm.s32 @!p0 $0x80  }
0x13c: {  	[tilespmem:s26], [sflag:$0x4] =	stream.indirect.gather @!p0 [hbm4b:s2+s25], $0x80, s24, s25, $0xb8;
	[tilespmem:$0x19C00] =	vst v63  }
0x13d: {  	_ =	swait.ge [sflag:s20], $0x4000  }
0x13e: {  	[sflag:s20] =	ssyncset.done $0x0  }
0x13f: {  	s24 =	simm.s32 $0x0;
	s25 =	simm.s32 $0x400;
	[sflag:s20] =	ssyncadd.s32 $0xFFFFC000  }
.LBB2_13:
0x140: {  	p0 =	sne.s32 s25, $0xFC00;
	v1 =	vld [tilespmem:s24+$0x15CF0]  }
0x141: {  	v2 =	vld [tilespmem:s24+$0x15C00]  }
0x142: {  	v3 =	vld [tilespmem:s24+$0x15C10]  }
0x143: {  	v4 =	vld [tilespmem:s24+$0x15C20]  }
0x144: {  	v5 =	vld [tilespmem:s24+$0x15C30]  }
0x145: {  	[tilespmem:s24+$0x1CF0] =	vst.add.f32.msk $0xffff, v1  }
0x146: {  	v1 =	vld [tilespmem:s24+$0x15C40]  }
0x147: {  	v6 =	vld [tilespmem:s24+$0x15C50]  }
0x148: {  	v7 =	vld [tilespmem:s24+$0x15C60]  }
0x149: {  	v8 =	vld [tilespmem:s24+$0x15C70]  }
0x14a: {  	v9 =	vld [tilespmem:s24+$0x15C80]  }
0x14b: {  	v10 =	vld [tilespmem:s24+$0x15C90]  }
0x14c: {  	v11 =	vld [tilespmem:s24+$0x15CA0]  }
0x14d: {  	v12 =	vld [tilespmem:s24+$0x15CB0]  }
0x14e: {  	v13 =	vld [tilespmem:s24+$0x15CC0]  }
0x14f: {  	v14 =	vld [tilespmem:s24+$0x15CD0]  }
0x150: {  	v15 =	vld [tilespmem:s24+$0x15CE0]  }
0x151: {  	[tilespmem:s24+$0x1C00] =	vst.add.f32.msk $0xffff, v2  }
0x152: {  	[tilespmem:s24+$0x1C10] =	vst.add.f32.msk $0xffff, v3  }
0x153: {  	[tilespmem:s24+$0x1C20] =	vst.add.f32.msk $0xffff, v4  }
0x154: {  	[tilespmem:s24+$0x1C30] =	vst.add.f32.msk $0xffff, v5  }
0x155: {  	[tilespmem:s24+$0x1C40] =	vst.add.f32.msk $0xffff, v1  }
0x156: {  	[tilespmem:s24+$0x1C50] =	vst.add.f32.msk $0xffff, v6  }
0x157: {  	[tilespmem:s24+$0x1C60] =	vst.add.f32.msk $0xffff, v7  }
0x158: {  	[tilespmem:s24+$0x1C70] =	vst.add.f32.msk $0xffff, v8  }
0x159: {  	[tilespmem:s24+$0x1C80] =	vst.add.f32.msk $0xffff, v9  }
0x15a: {  	[tilespmem:s24+$0x1C90] =	vst.add.f32.msk $0xffff, v10  }
.Ltmp5:
0x15b: {  	[tilespmem:s24+$0x1CA0] =	vst.add.f32.msk $0xffff, v11;
	(pc) =	sbr.rel @p0 .LBB2_13-.Ltmp5, $4  }
0x15c: {  	[tilespmem:s24+$0x1CB0] =	vst.add.f32.msk $0xffff, v12  }
0x15d: {  	[tilespmem:s24+$0x1CC0] =	vst.add.f32.msk $0xffff, v13  }
0x15e: {  	[tilespmem:s24+$0x1CD0] =	vst.add.f32.msk $0xffff, v14  }
0x15f: {  	[tilespmem:s24+$0x1CE0] =	vst.add.f32.msk $0xffff, v15;
	s24 =	sshra.s32 s25, $0x2;
	s25 =	sadd.s32 $0x400, s25  }
0x160: {  	v1 =	vld [tilespmem:s24+$0x15CF0]  }
0x161: {  	v2 =	vld [tilespmem:s24+$0x15C00]  }
0x162: {  	v3 =	vld [tilespmem:s24+$0x15C10]  }
0x163: {  	v4 =	vld [tilespmem:s24+$0x15C20]  }
0x164: {  	v5 =	vld [tilespmem:s24+$0x15C30]  }
0x165: {  	v6 =	vld [tilespmem:s24+$0x15C50]  }
0x166: {  	v7 =	vld [tilespmem:s24+$0x15C60]  }
0x167: {  	v8 =	vld [tilespmem:s24+$0x15C70]  }
0x168: {  	v9 =	vld [tilespmem:s24+$0x15C80]  }
0x169: {  	v10 =	vld [tilespmem:s24+$0x15C90]  }
0x16a: {  	v11 =	vld [tilespmem:s24+$0x15CA0]  }
0x16b: {  	v12 =	vld [tilespmem:s24+$0x15CB0]  }
0x16c: {  	v13 =	vld [tilespmem:s24+$0x15CC0]  }
0x16d: {  	v14 =	vld [tilespmem:s24+$0x15CD0]  }
0x16e: {  	v15 =	vld [tilespmem:s24+$0x15CE0]  }
0x16f: {  	[tilespmem:s24+$0x1CF0] =	vst.add.f32.msk $0xffff, v1  }
0x170: {  	v1 =	vld [tilespmem:s24+$0x15C40]  }
0x171: {  	[tilespmem:s24+$0x1C00] =	vst.add.f32.msk $0xffff, v2  }
0x172: {  	[tilespmem:s24+$0x1C10] =	vst.add.f32.msk $0xffff, v3  }
0x173: {  	[tilespmem:s24+$0x1C20] =	vst.add.f32.msk $0xffff, v4  }
0x174: {  	[tilespmem:s24+$0x1C30] =	vst.add.f32.msk $0xffff, v5  }
0x175: {  	[tilespmem:s24+$0x1C50] =	vst.add.f32.msk $0xffff, v6  }
0x176: {  	[tilespmem:s24+$0x1C60] =	vst.add.f32.msk $0xffff, v7  }
0x177: {  	[tilespmem:s24+$0x1C70] =	vst.add.f32.msk $0xffff, v8  }
0x178: {  	[tilespmem:s24+$0x1C80] =	vst.add.f32.msk $0xffff, v9  }
0x179: {  	s23 =	sadd.s32 $0x1, s23;
	[tilespmem:s24+$0x1C90] =	vst.add.f32.msk $0xffff, v10  }
0x17a: {  	p0 =	sne.s32 s23, $0xA;
	[tilespmem:s24+$0x1CA0] =	vst.add.f32.msk $0xffff, v11  }
.Ltmp6:
0x17b: {  	[tilespmem:s24+$0x1CB0] =	vst.add.f32.msk $0xffff, v12;
	(pc) =	sbr.rel @p0 .LBB2_4-.Ltmp6, $4  }
0x17c: {  	[tilespmem:s24+$0x1CC0] =	vst.add.f32.msk $0xffff, v13  }
0x17d: {  	[tilespmem:s24+$0x1CD0] =	vst.add.f32.msk $0xffff, v14  }
0x17e: {  	[tilespmem:s24+$0x1CE0] =	vst.add.f32.msk $0xffff, v15  }
0x17f: {  	[tilespmem:s24+$0x1C40] =	vst.add.f32.msk $0xffff, v1  }
0x180: {  	s22 =	sadd.s32 $0x1, s22  }
0x181: {  	p0 =	sne.s32 s22, s6  }
.Ltmp7:
0x182: {  	_ = 	snop;
	(pc) =	sbr.rel @p0 .LBB2_1-.Ltmp7, $4  }
0x183: {  	[hbm4b:s5+s3] =	stream.linear.scatter [tilespmem:s21], [sflag:$0x6], $0x4000, $0x38;
	[tilespmem:$0x19C00] =	vst v63  }
0x184: {  	_ =	swait.ge [sflag:s7], $0x4000  }
0x185: {  	[sflag:s7] =	ssyncset.done $0x0  }
0x186: {  	[sflag:s7] =	ssyncadd.s32 $0xFFFFC000  }
0x187: {  	_ =	sfence.sel $0x180000  }
0x188: {  	[bflag:$0x0] =	sbarrier.arrive $0xFFFF  }
0x189: {  	p0 =	sne.s32 s0, $0x0;
	_ =	strace $0x90000047  }
0x18a: {  	s0 =	sadd.s32 @!p0 $0x100000, s1;
	[bflag:$0x2] =	sbarrier.arrive $0xFFFF  }
0x18b: {  	[sflag:s0] =	ssyncadd.tile.s32 @!p0 $0x1;
	_ =	shalt  }
.Lfunc_end2:
_tile_overlayer_lowered:
.L_overlay_start_2:
0x18c: {  	(tag) =	ssettag $0x2  }
0x18d: {  	s0 =	rddreg [dreg:$0x0];
	s2 =	stileid.u32  }
0x18e: {  	s1 =	rddreg [dreg:$0x1];
	p0 =	sne.s32 s2, $0x0  }
0x18f: {  	s3 =	rddreg [dreg:$0x2];
	[bflag:$0x3] =	sbarrier.arrive $0xFFFF;
	s2 =	simm.s32 @!p0 $0x1C06  }
0x190: {  	[timem:s3], [sflag:s2] =	dma.local @!p0 [hbm:s0], s1  }
0x191: {  	s0 =	simm.s32 @!p0 $0x6  }
0x192: {  	_ =	swait.ge @!p0 [sflag:s0], s1  }
0x193: {  	s1 =	ssub.s32 @!p0 $0x0, s1;
	[sflag:s0] =	ssyncset.done @!p0 $0x0  }
0x194: {  	[sflag:s0] =	ssyncadd.s32 @!p0 s1  }
0x195: {  	[bflag:$0x3] =	sbarrier.arrive $0xFFFF  }
0x196: {  	_ =	shalt  }

</sc_bundles>
